<compile_context>
chip_gen: v7x
topology: tpu7x:2x2x1
jax: 0.10.2.dev20260603
libtpu: 0.0.44.dev20260713+nightly
codegen_flags: <defaults>
</compile_context>

<pallas_src>
import jax
import jax.numpy as jnp
from jax import lax
from jax.experimental import pallas as pl
from jax.experimental.pallas import tpu as pltpu
from jax.experimental.pallas import tpu_sc as plsc

_ROWS = 16384
_D = 2048
_NC = 2
_NS = 16
_NW = _NC * _NS
_RPW = _ROWS // _NW
_R = 8
_NCH = _RPW // _R
_NBUF = 6


def _sc_body(x_hbm, s_hbm, tbl_hbm, out_hbm, tbl_v, idx_v, xbuf,
             in_sem, out_sem):
    w = lax.axis_index("s") * _NC + lax.axis_index("c")
    base = w * _RPW

    pltpu.sync_copy(tbl_hbm, tbl_v)
    pltpu.sync_copy(s_hbm.at[pl.ds(base, _RPW)], idx_v)

    def start_in(c, bf):
        pltpu.async_copy(x_hbm.at[pl.ds(base + c * _R, _R)], xbuf.at[bf],
                         in_sem.at[bf])

    def wait_in(c, bf):
        pltpu.make_async_copy(x_hbm.at[pl.ds(base + c * _R, _R)],
                              xbuf.at[bf], in_sem.at[bf]).wait()

    def start_out(c, bf):
        pltpu.async_copy(xbuf.at[bf], out_hbm.at[pl.ds(base + c * _R, _R)],
                         out_sem.at[bf])

    def wait_out(c, bf):
        pltpu.make_async_copy(xbuf.at[bf],
                              out_hbm.at[pl.ds(base + c * _R, _R)],
                              out_sem.at[bf]).wait()

    for p in range(_NBUF - 1):
        start_in(p, p)

    def chunk_body(c, carry):
        bf = c % _NBUF
        wait_in(c, bf)

        s16 = idx_v[pl.ds((c // 2) * 16, 16)]
        odd = (c % 2) == 1
        for r in range(_R):
            sD = jnp.where(odd, s16[r + _R], s16[r]) * _D

            def col_body(jb, carry3, r=r, sD=sD):
                offs = [jb * 128 + k * 16 for k in range(8)]
                es = [tbl_v[pl.ds(sD + off, 16)] for off in offs]
                for off, e in zip(offs, es):
                    plsc.addupdate(xbuf.at[bf, r, pl.ds(off, 16)], e)
                return carry3

            lax.fori_loop(0, _D // 128, col_body, 0)

        start_out(c, bf)

        nbf = (c + _NBUF - 1) % _NBUF

        @pl.when(c >= 1)
        def _():
            wait_out(c - 1, nbf)

        @pl.when(c + _NBUF - 1 < _NCH)
        def _():
            start_in(c + _NBUF - 1, nbf)

        return carry

    lax.fori_loop(0, _NCH, chunk_body, 0)
    wait_out(_NCH - 1, (_NCH - 1) % _NBUF)


@jax.jit
def _sc_run(x2d, s1d, tbl):
    mesh = plsc.VectorSubcoreMesh(core_axis_name="c", subcore_axis_name="s",
                                  num_cores=_NC, num_subcores=_NS)
    f = pl.kernel(
        _sc_body,
        out_type=jax.ShapeDtypeStruct((_ROWS, _D), jnp.float32),
        mesh=mesh,
        scratch_types=[
            pltpu.VMEM((11 * _D,), jnp.float32),
            pltpu.VMEM((_RPW,), jnp.int32),
            pltpu.VMEM((_NBUF, _R, _D), jnp.float32),
            pltpu.SemaphoreType.DMA((_NBUF,)),
            pltpu.SemaphoreType.DMA((_NBUF,)),
        ],
        compiler_params=pltpu.CompilerParams(needs_layout_passes=False),
    )
    return f(x2d, s1d, tbl)


def kernel(x, scores, score_embeddings):
    b, n, d = x.shape
    x2d = x.reshape(b * n, d)
    s1d = scores.reshape(-1)
    out = _sc_run(x2d, s1d, score_embeddings.reshape(-1))
    return out.reshape(b, n, d)

# --- scband reference (transcript-rebuilt; emitter-appended) ---
"""Pipeline reference for scband-score-embedding-43722767073626 (READ-ONLY COPY).

The authoritative reference and input builder live on the scoring server;
editing this copy changes nothing except your own understanding.
"""

import jax, jax.numpy as jnp
import numpy as np


def setup_inputs(seed: int = 0) -> dict:
    key = jax.random.key(seed)
    k1, k2, k3 = jax.random.split(key, 3)
    x = jax.random.normal(k1, (4, 4096, 2048), dtype=jnp.float32)
    scores = jax.random.randint(k2, (4, 4096), 0, 11, dtype=jnp.int32)
    # learned parameter: score_embeddings [11, d_model] (torch init is zeros; use small randn for a nontrivial run)
    score_embeddings = jax.random.normal(k3, (11, 2048), dtype=jnp.float32) * 0.02
    return {"x": x, "scores": scores, "score_embeddings": score_embeddings}


def reference(x, scores, score_embeddings):
    # score_embeddings[scores] -> gather rows, then add to x
    emb = jnp.take(score_embeddings, scores, axis=0)  # [4, 4096, 2048]
    return x + emb

if __name__ == "__main__":
    import jax
    _d = setup_inputs()
    print(jax.jit(kernel)(*tuple(_d.values())))

</pallas_src>

<mosaic_0001>
#map = affine_map<(d0, d1) -> (0, 0)>
#map1 = affine_map<(d0, d1) -> (0)>
module attributes {stable_mosaic.version = 14 : i64} {
  func.func @_sc_body(%arg0: i32, %arg1: i32, %arg2: memref<16384x2048xf32, #tpu.memory_space<hbm>>, %arg3: memref<16384xi32, #tpu.memory_space<hbm>>, %arg4: memref<22528xf32, #tpu.memory_space<hbm>>, %arg5: memref<16384x2048xf32, #tpu.memory_space<hbm>>, %arg6: memref<22528xf32, #tpu.memory_space<vmem>>, %arg7: memref<512xi32, #tpu.memory_space<vmem>>, %arg8: memref<6x8x2048xf32, #tpu.memory_space<vmem>>, %arg9: memref<6x!tpu.dma_semaphore, #tpu.memory_space<semaphore_mem>>, %arg10: memref<6x!tpu.dma_semaphore, #tpu.memory_space<semaphore_mem>>) attributes {dimension_semantics = [#tpu.dimension_semantics<core_parallel>, #tpu.dimension_semantics<subcore_parallel>], iteration_bounds = array<i64: 2, 16>, scalar_prefetch = 0 : i64, scratch_operands = 5 : i64, tpu.core_type = #tpu.core_type<sc_vector_subcore>, window_params = [{transform_indices = #map}, {transform_indices = #map1}, {transform_indices = #map1}, {transform_indices = #map}]} {
    %mul3A = arith.constant 2 : i32
    %mul3A_0 = arith.muli %arg1, %mul3A : i32
    %add3A = arith.addi %mul3A_0, %arg0 : i32
    %mul3A_1 = arith.constant 512 : i32
    %mul3A_2 = arith.muli %add3A, %mul3A_1 : i32
    "tpu.region"() ({
      %run_scoped3A = tpu.sem_alloc : memref<!tpu.dma_semaphore, #tpu.memory_space<semaphore_mem>>
      tpu.enqueue_dma source(%arg4 : memref<22528xf32, #tpu.memory_space<hbm>>) target(%arg6 : memref<22528xf32, #tpu.memory_space<vmem>>) target_semaphore(%run_scoped3A : memref<!tpu.dma_semaphore, #tpu.memory_space<semaphore_mem>>)
      tpu.wait_dma2 semaphore(%run_scoped3A : memref<!tpu.dma_semaphore, #tpu.memory_space<semaphore_mem>>) src(%arg4 : memref<22528xf32, #tpu.memory_space<hbm>>) dst(%arg6 : memref<22528xf32, #tpu.memory_space<vmem>>)
      tpu.yield
    }) : () -> ()
    "tpu.region"() ({
      %run_scoped3A = tpu.sem_alloc : memref<!tpu.dma_semaphore, #tpu.memory_space<semaphore_mem>>
      %dma_start3A_114 = tpu.memref_slice %arg3[%mul3A_2] : memref<16384xi32, #tpu.memory_space<hbm>> -> memref<512xi32, #tpu.memory_space<hbm>>
      %dma_start3A_115 = tpu.memref_slice %arg3[%mul3A_2] : memref<16384xi32, #tpu.memory_space<hbm>> -> memref<512xi32, #tpu.memory_space<hbm>>
      tpu.enqueue_dma source(%dma_start3A_115 : memref<512xi32, #tpu.memory_space<hbm>>) target(%arg7 : memref<512xi32, #tpu.memory_space<vmem>>) target_semaphore(%run_scoped3A : memref<!tpu.dma_semaphore, #tpu.memory_space<semaphore_mem>>)
      %dma_wait3A_116 = tpu.memref_slice %arg3[%mul3A_2] : memref<16384xi32, #tpu.memory_space<hbm>> -> memref<512xi32, #tpu.memory_space<hbm>>
      %dma_wait3A_117 = tpu.memref_slice %arg3[%mul3A_2] : memref<16384xi32, #tpu.memory_space<hbm>> -> memref<512xi32, #tpu.memory_space<hbm>>
      tpu.wait_dma2 semaphore(%run_scoped3A : memref<!tpu.dma_semaphore, #tpu.memory_space<semaphore_mem>>) src(%dma_wait3A_117 : memref<512xi32, #tpu.memory_space<hbm>>) dst(%arg7 : memref<512xi32, #tpu.memory_space<vmem>>)
      tpu.yield
    }) : () -> ()
    %add3A_3 = arith.constant 0 : i32
    %add3A_4 = arith.addi %mul3A_2, %add3A_3 : i32
    %dma_start3A = arith.constant 0 : i32
    %dma_start3A_5 = arith.constant 0 : i32
    %dma_start3A_6 = arith.constant 0 : i32
    %dma_start3A_7 = arith.constant 0 : i32
    %dma_start3A_8 = tpu.memref_slice %arg8[%dma_start3A, %dma_start3A_6, %dma_start3A_7] : memref<6x8x2048xf32, #tpu.memory_space<vmem>> -> memref<1x8x2048xf32, #tpu.memory_space<vmem>>
    %dma_start3A_9 = tpu.memref_squeeze %dma_start3A_8 : memref<1x8x2048xf32, #tpu.memory_space<vmem>> -> memref<8x2048xf32, #tpu.memory_space<vmem>>
    %dma_start3A_10 = arith.constant 0 : i32
    %dma_start3A_11 = tpu.memref_slice %arg2[%add3A_4, %dma_start3A_10] : memref<16384x2048xf32, #tpu.memory_space<hbm>> -> memref<8x2048xf32, #tpu.memory_space<hbm>>
    %dma_start3A_12 = tpu.memref_slice %arg9[%dma_start3A_5] : memref<6x!tpu.dma_semaphore, #tpu.memory_space<semaphore_mem>> -> memref<1x!tpu.dma_semaphore, #tpu.memory_space<semaphore_mem>>
    %dma_start3A_13 = tpu.memref_squeeze %dma_start3A_12 : memref<1x!tpu.dma_semaphore, #tpu.memory_space<semaphore_mem>> -> memref<!tpu.dma_semaphore, #tpu.memory_space<semaphore_mem>>
    %dma_start3A_14 = arith.constant 0 : i32
    %dma_start3A_15 = arith.constant 0 : i32
    %dma_start3A_16 = tpu.memref_slice %arg8[%dma_start3A, %dma_start3A_14, %dma_start3A_15] : memref<6x8x2048xf32, #tpu.memory_space<vmem>> -> memref<1x8x2048xf32, #tpu.memory_space<vmem>>
    %dma_start3A_17 = tpu.memref_squeeze %dma_start3A_16 : memref<1x8x2048xf32, #tpu.memory_space<vmem>> -> memref<8x2048xf32, #tpu.memory_space<vmem>>
    %dma_start3A_18 = arith.constant 0 : i32
    %dma_start3A_19 = tpu.memref_slice %arg2[%add3A_4, %dma_start3A_18] : memref<16384x2048xf32, #tpu.memory_space<hbm>> -> memref<8x2048xf32, #tpu.memory_space<hbm>>
    tpu.enqueue_dma source(%dma_start3A_19 : memref<8x2048xf32, #tpu.memory_space<hbm>>) target(%dma_start3A_17 : memref<8x2048xf32, #tpu.memory_space<vmem>>) target_semaphore(%dma_start3A_13 : memref<!tpu.dma_semaphore, #tpu.memory_space<semaphore_mem>>)
    %add3A_20 = arith.constant 8 : i32
    %add3A_21 = arith.addi %mul3A_2, %add3A_20 : i32
    %dma_start3A_22 = arith.constant 1 : i32
    %dma_start3A_23 = arith.constant 1 : i32
    %dma_start3A_24 = arith.constant 0 : i32
    %dma_start3A_25 = arith.constant 0 : i32
    %dma_start3A_26 = tpu.memref_slice %arg8[%dma_start3A_22, %dma_start3A_24, %dma_start3A_25] : memref<6x8x2048xf32, #tpu.memory_space<vmem>> -> memref<1x8x2048xf32, #tpu.memory_space<vmem>>
    %dma_start3A_27 = tpu.memref_squeeze %dma_start3A_26 : memref<1x8x2048xf32, #tpu.memory_space<vmem>> -> memref<8x2048xf32, #tpu.memory_space<vmem>>
    %dma_start3A_28 = arith.constant 0 : i32
    %dma_start3A_29 = tpu.memref_slice %arg2[%add3A_21, %dma_start3A_28] : memref<16384x2048xf32, #tpu.memory_space<hbm>> -> memref<8x2048xf32, #tpu.memory_space<hbm>>
    %dma_start3A_30 = tpu.memref_slice %arg9[%dma_start3A_23] : memref<6x!tpu.dma_semaphore, #tpu.memory_space<semaphore_mem>> -> memref<1x!tpu.dma_semaphore, #tpu.memory_space<semaphore_mem>>
    %dma_start3A_31 = tpu.memref_squeeze %dma_start3A_30 : memref<1x!tpu.dma_semaphore, #tpu.memory_space<semaphore_mem>> -> memref<!tpu.dma_semaphore, #tpu.memory_space<semaphore_mem>>
    %dma_start3A_32 = arith.constant 0 : i32
    %dma_start3A_33 = arith.constant 0 : i32
    %dma_start3A_34 = tpu.memref_slice %arg8[%dma_start3A_22, %dma_start3A_32, %dma_start3A_33] : memref<6x8x2048xf32, #tpu.memory_space<vmem>> -> memref<1x8x2048xf32, #tpu.memory_space<vmem>>
    %dma_start3A_35 = tpu.memref_squeeze %dma_start3A_34 : memref<1x8x2048xf32, #tpu.memory_space<vmem>> -> memref<8x2048xf32, #tpu.memory_space<vmem>>
    %dma_start3A_36 = arith.constant 0 : i32
    %dma_start3A_37 = tpu.memref_slice %arg2[%add3A_21, %dma_start3A_36] : memref<16384x2048xf32, #tpu.memory_space<hbm>> -> memref<8x2048xf32, #tpu.memory_space<hbm>>
    tpu.enqueue_dma source(%dma_start3A_37 : memref<8x2048xf32, #tpu.memory_space<hbm>>) target(%dma_start3A_35 : memref<8x2048xf32, #tpu.memory_space<vmem>>) target_semaphore(%dma_start3A_31 : memref<!tpu.dma_semaphore, #tpu.memory_space<semaphore_mem>>)
    %add3A_38 = arith.constant 16 : i32
    %add3A_39 = arith.addi %mul3A_2, %add3A_38 : i32
    %dma_start3A_40 = arith.constant 2 : i32
    %dma_start3A_41 = arith.constant 2 : i32
    %dma_start3A_42 = arith.constant 0 : i32
    %dma_start3A_43 = arith.constant 0 : i32
    %dma_start3A_44 = tpu.memref_slice %arg8[%dma_start3A_40, %dma_start3A_42, %dma_start3A_43] : memref<6x8x2048xf32, #tpu.memory_space<vmem>> -> memref<1x8x2048xf32, #tpu.memory_space<vmem>>
    %dma_start3A_45 = tpu.memref_squeeze %dma_start3A_44 : memref<1x8x2048xf32, #tpu.memory_space<vmem>> -> memref<8x2048xf32, #tpu.memory_space<vmem>>
    %dma_start3A_46 = arith.constant 0 : i32
    %dma_start3A_47 = tpu.memref_slice %arg2[%add3A_39, %dma_start3A_46] : memref<16384x2048xf32, #tpu.memory_space<hbm>> -> memref<8x2048xf32, #tpu.memory_space<hbm>>
    %dma_start3A_48 = tpu.memref_slice %arg9[%dma_start3A_41] : memref<6x!tpu.dma_semaphore, #tpu.memory_space<semaphore_mem>> -> memref<1x!tpu.dma_semaphore, #tpu.memory_space<semaphore_mem>>
    %dma_start3A_49 = tpu.memref_squeeze %dma_start3A_48 : memref<1x!tpu.dma_semaphore, #tpu.memory_space<semaphore_mem>> -> memref<!tpu.dma_semaphore, #tpu.memory_space<semaphore_mem>>
    %dma_start3A_50 = arith.constant 0 : i32
    %dma_start3A_51 = arith.constant 0 : i32
    %dma_start3A_52 = tpu.memref_slice %arg8[%dma_start3A_40, %dma_start3A_50, %dma_start3A_51] : memref<6x8x2048xf32, #tpu.memory_space<vmem>> -> memref<1x8x2048xf32, #tpu.memory_space<vmem>>
    %dma_start3A_53 = tpu.memref_squeeze %dma_start3A_52 : memref<1x8x2048xf32, #tpu.memory_space<vmem>> -> memref<8x2048xf32, #tpu.memory_space<vmem>>
    %dma_start3A_54 = arith.constant 0 : i32
    %dma_start3A_55 = tpu.memref_slice %arg2[%add3A_39, %dma_start3A_54] : memref<16384x2048xf32, #tpu.memory_space<hbm>> -> memref<8x2048xf32, #tpu.memory_space<hbm>>
    tpu.enqueue_dma source(%dma_start3A_55 : memref<8x2048xf32, #tpu.memory_space<hbm>>) target(%dma_start3A_53 : memref<8x2048xf32, #tpu.memory_space<vmem>>) target_semaphore(%dma_start3A_49 : memref<!tpu.dma_semaphore, #tpu.memory_space<semaphore_mem>>)
    %add3A_56 = arith.constant 24 : i32
    %add3A_57 = arith.addi %mul3A_2, %add3A_56 : i32
    %dma_start3A_58 = arith.constant 3 : i32
    %dma_start3A_59 = arith.constant 3 : i32
    %dma_start3A_60 = arith.constant 0 : i32
    %dma_start3A_61 = arith.constant 0 : i32
    %dma_start3A_62 = tpu.memref_slice %arg8[%dma_start3A_58, %dma_start3A_60, %dma_start3A_61] : memref<6x8x2048xf32, #tpu.memory_space<vmem>> -> memref<1x8x2048xf32, #tpu.memory_space<vmem>>
    %dma_start3A_63 = tpu.memref_squeeze %dma_start3A_62 : memref<1x8x2048xf32, #tpu.memory_space<vmem>> -> memref<8x2048xf32, #tpu.memory_space<vmem>>
    %dma_start3A_64 = arith.constant 0 : i32
    %dma_start3A_65 = tpu.memref_slice %arg2[%add3A_57, %dma_start3A_64] : memref<16384x2048xf32, #tpu.memory_space<hbm>> -> memref<8x2048xf32, #tpu.memory_space<hbm>>
    %dma_start3A_66 = tpu.memref_slice %arg9[%dma_start3A_59] : memref<6x!tpu.dma_semaphore, #tpu.memory_space<semaphore_mem>> -> memref<1x!tpu.dma_semaphore, #tpu.memory_space<semaphore_mem>>
    %dma_start3A_67 = tpu.memref_squeeze %dma_start3A_66 : memref<1x!tpu.dma_semaphore, #tpu.memory_space<semaphore_mem>> -> memref<!tpu.dma_semaphore, #tpu.memory_space<semaphore_mem>>
    %dma_start3A_68 = arith.constant 0 : i32
    %dma_start3A_69 = arith.constant 0 : i32
    %dma_start3A_70 = tpu.memref_slice %arg8[%dma_start3A_58, %dma_start3A_68, %dma_start3A_69] : memref<6x8x2048xf32, #tpu.memory_space<vmem>> -> memref<1x8x2048xf32, #tpu.memory_space<vmem>>
    %dma_start3A_71 = tpu.memref_squeeze %dma_start3A_70 : memref<1x8x2048xf32, #tpu.memory_space<vmem>> -> memref<8x2048xf32, #tpu.memory_space<vmem>>
    %dma_start3A_72 = arith.constant 0 : i32
    %dma_start3A_73 = tpu.memref_slice %arg2[%add3A_57, %dma_start3A_72] : memref<16384x2048xf32, #tpu.memory_space<hbm>> -> memref<8x2048xf32, #tpu.memory_space<hbm>>
    tpu.enqueue_dma source(%dma_start3A_73 : memref<8x2048xf32, #tpu.memory_space<hbm>>) target(%dma_start3A_71 : memref<8x2048xf32, #tpu.memory_space<vmem>>) target_semaphore(%dma_start3A_67 : memref<!tpu.dma_semaphore, #tpu.memory_space<semaphore_mem>>)
    %add3A_74 = arith.constant 32 : i32
    %add3A_75 = arith.addi %mul3A_2, %add3A_74 : i32
    %dma_start3A_76 = arith.constant 4 : i32
    %dma_start3A_77 = arith.constant 4 : i32
    %dma_start3A_78 = arith.constant 0 : i32
    %dma_start3A_79 = arith.constant 0 : i32
    %dma_start3A_80 = tpu.memref_slice %arg8[%dma_start3A_76, %dma_start3A_78, %dma_start3A_79] : memref<6x8x2048xf32, #tpu.memory_space<vmem>> -> memref<1x8x2048xf32, #tpu.memory_space<vmem>>
    %dma_start3A_81 = tpu.memref_squeeze %dma_start3A_80 : memref<1x8x2048xf32, #tpu.memory_space<vmem>> -> memref<8x2048xf32, #tpu.memory_space<vmem>>
    %dma_start3A_82 = arith.constant 0 : i32
    %dma_start3A_83 = tpu.memref_slice %arg2[%add3A_75, %dma_start3A_82] : memref<16384x2048xf32, #tpu.memory_space<hbm>> -> memref<8x2048xf32, #tpu.memory_space<hbm>>
    %dma_start3A_84 = tpu.memref_slice %arg9[%dma_start3A_77] : memref<6x!tpu.dma_semaphore, #tpu.memory_space<semaphore_mem>> -> memref<1x!tpu.dma_semaphore, #tpu.memory_space<semaphore_mem>>
    %dma_start3A_85 = tpu.memref_squeeze %dma_start3A_84 : memref<1x!tpu.dma_semaphore, #tpu.memory_space<semaphore_mem>> -> memref<!tpu.dma_semaphore, #tpu.memory_space<semaphore_mem>>
    %dma_start3A_86 = arith.constant 0 : i32
    %dma_start3A_87 = arith.constant 0 : i32
    %dma_start3A_88 = tpu.memref_slice %arg8[%dma_start3A_76, %dma_start3A_86, %dma_start3A_87] : memref<6x8x2048xf32, #tpu.memory_space<vmem>> -> memref<1x8x2048xf32, #tpu.memory_space<vmem>>
    %dma_start3A_89 = tpu.memref_squeeze %dma_start3A_88 : memref<1x8x2048xf32, #tpu.memory_space<vmem>> -> memref<8x2048xf32, #tpu.memory_space<vmem>>
    %dma_start3A_90 = arith.constant 0 : i32
    %dma_start3A_91 = tpu.memref_slice %arg2[%add3A_75, %dma_start3A_90] : memref<16384x2048xf32, #tpu.memory_space<hbm>> -> memref<8x2048xf32, #tpu.memory_space<hbm>>
    tpu.enqueue_dma source(%dma_start3A_91 : memref<8x2048xf32, #tpu.memory_space<hbm>>) target(%dma_start3A_89 : memref<8x2048xf32, #tpu.memory_space<vmem>>) target_semaphore(%dma_start3A_85 : memref<!tpu.dma_semaphore, #tpu.memory_space<semaphore_mem>>)
    %scan3A = arith.constant 0 : i32
    %scan3A_92 = arith.constant 0 : i32
    %scan3A_93 = arith.constant 64 : i32
    %scan3A_94 = arith.addi %scan3A_92, %scan3A_93 : i32
    %scan3A_95 = arith.constant 1 : i32
    scf.for %scan3A_114 = %scan3A_92 to %scan3A_94 step %scan3A_95  : i32 {
      %jit3A = arith.constant 6 : i32
      %eq3A = arith.constant 0 : i32
      %eq3A_115 = arith.cmpi eq, %jit3A, %eq3A : i32
      %jit3A_116 = arith.constant 1 : i32
      %select_n3A = arith.select %eq3A_115, %jit3A_116, %jit3A : i32
      %rem3A = arith.remsi %scan3A_114, %select_n3A : i32
      %ne3A = arith.constant 0 : i32
      %ne3A_117 = arith.cmpi ne, %rem3A, %ne3A : i32
      %lt3A = arith.constant 0 : i32
      %lt3A_118 = arith.cmpi slt, %rem3A, %lt3A : i32
      %lt3A_119 = arith.constant 0 : i32
      %lt3A_120 = arith.cmpi slt, %select_n3A, %lt3A_119 : i32
      %ne3A_121 = arith.xori %lt3A_118, %lt3A_120 : i1
      %and3A = arith.andi %ne3A_121, %ne3A_117 : i1
      %add3A_122 = arith.addi %rem3A, %select_n3A : i32
      %select_n3A_123 = arith.select %and3A, %add3A_122, %rem3A : i32
      %mul3A_124 = arith.constant 8 : i32
      %mul3A_125 = arith.muli %scan3A_114, %mul3A_124 : i32
      %add3A_126 = arith.addi %mul3A_2, %mul3A_125 : i32
      %dma_wait3A_127 = arith.constant 0 : i32
      %dma_wait3A_128 = arith.constant 0 : i32
      %dma_wait3A_129 = tpu.memref_slice %arg8[%select_n3A_123, %dma_wait3A_127, %dma_wait3A_128] : memref<6x8x2048xf32, #tpu.memory_space<vmem>> -> memref<1x8x2048xf32, #tpu.memory_space<vmem>>
      %dma_wait3A_130 = tpu.memref_squeeze %dma_wait3A_129 : memref<1x8x2048xf32, #tpu.memory_space<vmem>> -> memref<8x2048xf32, #tpu.memory_space<vmem>>
      %dma_wait3A_131 = arith.constant 0 : i32
      %dma_wait3A_132 = tpu.memref_slice %arg2[%add3A_126, %dma_wait3A_131] : memref<16384x2048xf32, #tpu.memory_space<hbm>> -> memref<8x2048xf32, #tpu.memory_space<hbm>>
      %dma_wait3A_133 = tpu.memref_slice %arg9[%select_n3A_123] : memref<6x!tpu.dma_semaphore, #tpu.memory_space<semaphore_mem>> -> memref<1x!tpu.dma_semaphore, #tpu.memory_space<semaphore_mem>>
      %dma_wait3A_134 = tpu.memref_squeeze %dma_wait3A_133 : memref<1x!tpu.dma_semaphore, #tpu.memory_space<semaphore_mem>> -> memref<!tpu.dma_semaphore, #tpu.memory_space<semaphore_mem>>
      %dma_wait3A_135 = arith.constant 0 : i32
      %dma_wait3A_136 = arith.constant 0 : i32
      %dma_wait3A_137 = tpu.memref_slice %arg8[%select_n3A_123, %dma_wait3A_135, %dma_wait3A_136] : memref<6x8x2048xf32, #tpu.memory_space<vmem>> -> memref<1x8x2048xf32, #tpu.memory_space<vmem>>
      %dma_wait3A_138 = tpu.memref_squeeze %dma_wait3A_137 : memref<1x8x2048xf32, #tpu.memory_space<vmem>> -> memref<8x2048xf32, #tpu.memory_space<vmem>>
      %dma_wait3A_139 = arith.constant 0 : i32
      %dma_wait3A_140 = tpu.memref_slice %arg2[%add3A_126, %dma_wait3A_139] : memref<16384x2048xf32, #tpu.memory_space<hbm>> -> memref<8x2048xf32, #tpu.memory_space<hbm>>
      tpu.wait_dma2 semaphore(%dma_wait3A_134 : memref<!tpu.dma_semaphore, #tpu.memory_space<semaphore_mem>>) src(%dma_wait3A_140 : memref<8x2048xf32, #tpu.memory_space<hbm>>) dst(%dma_wait3A_138 : memref<8x2048xf32, #tpu.memory_space<vmem>>)
      %jit3A_141 = arith.constant 2 : i32
      %div3A = arith.divsi %scan3A_114, %jit3A_141 : i32
      %sign3A = arith.constant 0 : i32
      %sign3A_142 = arith.cmpi sgt, %scan3A_114, %sign3A : i32
      %sign3A_143 = arith.extui %sign3A_142 : i1 to i32
      %sign3A_144 = arith.constant 0 : i32
      %sign3A_145 = arith.cmpi slt, %scan3A_114, %sign3A_144 : i32
      %sign3A_146 = arith.extui %sign3A_145 : i1 to i32
      %sign3A_147 = arith.subi %sign3A_143, %sign3A_146 : i32
      %sign3A_148 = arith.constant 0 : i32
      %sign3A_149 = arith.cmpi sgt, %jit3A_141, %sign3A_148 : i32
      %sign3A_150 = arith.extui %sign3A_149 : i1 to i32
      %sign3A_151 = arith.constant 0 : i32
      %sign3A_152 = arith.cmpi slt, %jit3A_141, %sign3A_151 : i32
      %sign3A_153 = arith.extui %sign3A_152 : i1 to i32
      %sign3A_154 = arith.subi %sign3A_150, %sign3A_153 : i32
      %ne3A_155 = arith.cmpi ne, %sign3A_147, %sign3A_154 : i32
      %rem3A_156 = arith.remsi %scan3A_114, %jit3A_141 : i32
      %ne3A_157 = arith.constant 0 : i32
      %ne3A_158 = arith.cmpi ne, %rem3A_156, %ne3A_157 : i32
      %and3A_159 = arith.andi %ne3A_155, %ne3A_158 : i1
      %sub3A = arith.constant 1 : i32
      %sub3A_160 = arith.subi %div3A, %sub3A : i32
      %select_n3A_161 = arith.select %and3A_159, %sub3A_160, %div3A : i32
      %mul3A_162 = arith.constant 16 : i32
      %mul3A_163 = arith.muli %select_n3A_161, %mul3A_162 : i32
      %get3A = arith.index_cast %mul3A_163 : i32 to index
      %get3A_164 = tpu.vector_load %arg7[%get3A] {strides = array<i32>} : memref<512xi32, #tpu.memory_space<vmem>>, vector<16xi32>,
      %jit3A_165 = arith.constant 2 : i32
      %eq3A_166 = arith.constant 0 : i32
      %eq3A_167 = arith.cmpi eq, %jit3A_165, %eq3A_166 : i32
      %jit3A_168 = arith.constant 1 : i32
      %select_n3A_169 = arith.select %eq3A_167, %jit3A_168, %jit3A_165 : i32
      %rem3A_170 = arith.remsi %scan3A_114, %select_n3A_169 : i32
      %ne3A_171 = arith.constant 0 : i32
      %ne3A_172 = arith.cmpi ne, %rem3A_170, %ne3A_171 : i32
      %lt3A_173 = arith.constant 0 : i32
      %lt3A_174 = arith.cmpi slt, %rem3A_170, %lt3A_173 : i32
      %lt3A_175 = arith.constant 0 : i32
      %lt3A_176 = arith.cmpi slt, %select_n3A_169, %lt3A_175 : i32
      %ne3A_177 = arith.xori %lt3A_174, %lt3A_176 : i1
      %and3A_178 = arith.andi %ne3A_177, %ne3A_172 : i1
      %add3A_179 = arith.addi %rem3A_170, %select_n3A_169 : i32
      %select_n3A_180 = arith.select %and3A_178, %add3A_179, %rem3A_170 : i32
      %eq3A_181 = arith.constant 1 : i32
      %eq3A_182 = arith.cmpi eq, %select_n3A_180, %eq3A_181 : i32
      %slice3A = vector.extract_strided_slice %get3A_164 {offsets = [8], sizes = [1], strides = [1]} : vector<16xi32> to vector<1xi32>
      %squeeze3A = vector.extract %slice3A[0] : i32 from vector<1xi32>
      %slice3A_183 = vector.extract_strided_slice %get3A_164 {offsets = [0], sizes = [1], strides = [1]} : vector<16xi32> to vector<1xi32>
      %squeeze3A_184 = vector.extract %slice3A_183[0] : i32 from vector<1xi32>
      %select_n3A_185 = arith.select %eq3A_182, %squeeze3A, %squeeze3A_184 : i32
      %mul3A_186 = arith.constant 2048 : i32
      %mul3A_187 = arith.muli %select_n3A_185, %mul3A_186 : i32
      %scan3A_188 = arith.constant 0 : i32
      %scan3A_189 = arith.constant 0 : i32
      %scan3A_190 = arith.constant 16 : i32
      %scan3A_191 = arith.addi %scan3A_189, %scan3A_190 : i32
      %scan3A_192 = arith.constant 1 : i32
      scf.for %scan3A_333 = %scan3A_189 to %scan3A_191 step %scan3A_192  : i32 {
        %mul3A_334 = arith.constant 128 : i32
        %mul3A_335 = arith.muli %scan3A_333, %mul3A_334 : i32
        %add3A_336 = arith.constant 0 : i32
        %add3A_337 = arith.addi %mul3A_335, %add3A_336 : i32
        %mul3A_338 = arith.constant 128 : i32
        %mul3A_339 = arith.muli %scan3A_333, %mul3A_338 : i32
        %add3A_340 = arith.constant 16 : i32
        %add3A_341 = arith.addi %mul3A_339, %add3A_340 : i32
        %mul3A_342 = arith.constant 128 : i32
        %mul3A_343 = arith.muli %scan3A_333, %mul3A_342 : i32
        %add3A_344 = arith.constant 32 : i32
        %add3A_345 = arith.addi %mul3A_343, %add3A_344 : i32
        %mul3A_346 = arith.constant 128 : i32
        %mul3A_347 = arith.muli %scan3A_333, %mul3A_346 : i32
        %add3A_348 = arith.constant 48 : i32
        %add3A_349 = arith.addi %mul3A_347, %add3A_348 : i32
        %mul3A_350 = arith.constant 128 : i32
        %mul3A_351 = arith.muli %scan3A_333, %mul3A_350 : i32
        %add3A_352 = arith.constant 64 : i32
        %add3A_353 = arith.addi %mul3A_351, %add3A_352 : i32
        %mul3A_354 = arith.constant 128 : i32
        %mul3A_355 = arith.muli %scan3A_333, %mul3A_354 : i32
        %add3A_356 = arith.constant 80 : i32
        %add3A_357 = arith.addi %mul3A_355, %add3A_356 : i32
        %mul3A_358 = arith.constant 128 : i32
        %mul3A_359 = arith.muli %scan3A_333, %mul3A_358 : i32
        %add3A_360 = arith.constant 96 : i32
        %add3A_361 = arith.addi %mul3A_359, %add3A_360 : i32
        %mul3A_362 = arith.constant 128 : i32
        %mul3A_363 = arith.muli %scan3A_333, %mul3A_362 : i32
        %add3A_364 = arith.constant 112 : i32
        %add3A_365 = arith.addi %mul3A_363, %add3A_364 : i32
        %add3A_366 = arith.addi %mul3A_187, %add3A_337 : i32
        %get3A_367 = arith.index_cast %add3A_366 : i32 to index
        %get3A_368 = tpu.vector_load %arg6[%get3A_367] {strides = array<i32>} : memref<22528xf32, #tpu.memory_space<vmem>>, vector<16xf32>,
        %add3A_369 = arith.addi %mul3A_187, %add3A_341 : i32
        %get3A_370 = arith.index_cast %add3A_369 : i32 to index
        %get3A_371 = tpu.vector_load %arg6[%get3A_370] {strides = array<i32>} : memref<22528xf32, #tpu.memory_space<vmem>>, vector<16xf32>,
        %add3A_372 = arith.addi %mul3A_187, %add3A_345 : i32
        %get3A_373 = arith.index_cast %add3A_372 : i32 to index
        %get3A_374 = tpu.vector_load %arg6[%get3A_373] {strides = array<i32>} : memref<22528xf32, #tpu.memory_space<vmem>>, vector<16xf32>,
        %add3A_375 = arith.addi %mul3A_187, %add3A_349 : i32
        %get3A_376 = arith.index_cast %add3A_375 : i32 to index
        %get3A_377 = tpu.vector_load %arg6[%get3A_376] {strides = array<i32>} : memref<22528xf32, #tpu.memory_space<vmem>>, vector<16xf32>,
        %add3A_378 = arith.addi %mul3A_187, %add3A_353 : i32
        %get3A_379 = arith.index_cast %add3A_378 : i32 to index
        %get3A_380 = tpu.vector_load %arg6[%get3A_379] {strides = array<i32>} : memref<22528xf32, #tpu.memory_space<vmem>>, vector<16xf32>,
        %add3A_381 = arith.addi %mul3A_187, %add3A_357 : i32
        %get3A_382 = arith.index_cast %add3A_381 : i32 to index
        %get3A_383 = tpu.vector_load %arg6[%get3A_382] {strides = array<i32>} : memref<22528xf32, #tpu.memory_space<vmem>>, vector<16xf32>,
        %add3A_384 = arith.addi %mul3A_187, %add3A_361 : i32
        %get3A_385 = arith.index_cast %add3A_384 : i32 to index
        %get3A_386 = tpu.vector_load %arg6[%get3A_385] {strides = array<i32>} : memref<22528xf32, #tpu.memory_space<vmem>>, vector<16xf32>,
        %add3A_387 = arith.addi %mul3A_187, %add3A_365 : i32
        %get3A_388 = arith.index_cast %add3A_387 : i32 to index
        %get3A_389 = tpu.vector_load %arg6[%get3A_388] {strides = array<i32>} : memref<22528xf32, #tpu.memory_space<vmem>>, vector<16xf32>,
        %swap3A = arith.constant 0 : i32
        %swap3A_390 = arith.index_cast %select_n3A_123 : i32 to index
        %swap3A_391 = arith.index_cast %swap3A : i32 to index
        %swap3A_392 = arith.index_cast %add3A_337 : i32 to index
        %swap3A_393 = tpu.vector_load %arg8[%swap3A_390, %swap3A_391, %swap3A_392] {strides = array<i32>} : memref<6x8x2048xf32, #tpu.memory_space<vmem>>, vector<16xf32>,
        tpu.vector_store %arg8[%swap3A_390, %swap3A_391, %swap3A_392], %get3A_368 {add = true, strides = array<i32>} : memref<6x8x2048xf32, #tpu.memory_space<vmem>>, vector<16xf32>,
        %swap3A_394 = arith.constant 0 : i32
        %swap3A_395 = arith.index_cast %select_n3A_123 : i32 to index
        %swap3A_396 = arith.index_cast %swap3A_394 : i32 to index
        %swap3A_397 = arith.index_cast %add3A_341 : i32 to index
        %swap3A_398 = tpu.vector_load %arg8[%swap3A_395, %swap3A_396, %swap3A_397] {strides = array<i32>} : memref<6x8x2048xf32, #tpu.memory_space<vmem>>, vector<16xf32>,
        tpu.vector_store %arg8[%swap3A_395, %swap3A_396, %swap3A_397], %get3A_371 {add = true, strides = array<i32>} : memref<6x8x2048xf32, #tpu.memory_space<vmem>>, vector<16xf32>,
        %swap3A_399 = arith.constant 0 : i32
        %swap3A_400 = arith.index_cast %select_n3A_123 : i32 to index
        %swap3A_401 = arith.index_cast %swap3A_399 : i32 to index
        %swap3A_402 = arith.index_cast %add3A_345 : i32 to index
        %swap3A_403 = tpu.vector_load %arg8[%swap3A_400, %swap3A_401, %swap3A_402] {strides = array<i32>} : memref<6x8x2048xf32, #tpu.memory_space<vmem>>, vector<16xf32>,
        tpu.vector_store %arg8[%swap3A_400, %swap3A_401, %swap3A_402], %get3A_374 {add = true, strides = array<i32>} : memref<6x8x2048xf32, #tpu.memory_space<vmem>>, vector<16xf32>,
        %swap3A_404 = arith.constant 0 : i32
        %swap3A_405 = arith.index_cast %select_n3A_123 : i32 to index
        %swap3A_406 = arith.index_cast %swap3A_404 : i32 to index
        %swap3A_407 = arith.index_cast %add3A_349 : i32 to index
        %swap3A_408 = tpu.vector_load %arg8[%swap3A_405, %swap3A_406, %swap3A_407] {strides = array<i32>} : memref<6x8x2048xf32, #tpu.memory_space<vmem>>, vector<16xf32>,
        tpu.vector_store %arg8[%swap3A_405, %swap3A_406, %swap3A_407], %get3A_377 {add = true, strides = array<i32>} : memref<6x8x2048xf32, #tpu.memory_space<vmem>>, vector<16xf32>,
        %swap3A_409 = arith.constant 0 : i32
        %swap3A_410 = arith.index_cast %select_n3A_123 : i32 to index
        %swap3A_411 = arith.index_cast %swap3A_409 : i32 to index
        %swap3A_412 = arith.index_cast %add3A_353 : i32 to index
        %swap3A_413 = tpu.vector_load %arg8[%swap3A_410, %swap3A_411, %swap3A_412] {strides = array<i32>} : memref<6x8x2048xf32, #tpu.memory_space<vmem>>, vector<16xf32>,
        tpu.vector_store %arg8[%swap3A_410, %swap3A_411, %swap3A_412], %get3A_380 {add = true, strides = array<i32>} : memref<6x8x2048xf32, #tpu.memory_space<vmem>>, vector<16xf32>,
        %swap3A_414 = arith.constant 0 : i32
        %swap3A_415 = arith.index_cast %select_n3A_123 : i32 to index
        %swap3A_416 = arith.index_cast %swap3A_414 : i32 to index
        %swap3A_417 = arith.index_cast %add3A_357 : i32 to index
        %swap3A_418 = tpu.vector_load %arg8[%swap3A_415, %swap3A_416, %swap3A_417] {strides = array<i32>} : memref<6x8x2048xf32, #tpu.memory_space<vmem>>, vector<16xf32>,
        tpu.vector_store %arg8[%swap3A_415, %swap3A_416, %swap3A_417], %get3A_383 {add = true, strides = array<i32>} : memref<6x8x2048xf32, #tpu.memory_space<vmem>>, vector<16xf32>,
        %swap3A_419 = arith.constant 0 : i32
        %swap3A_420 = arith.index_cast %select_n3A_123 : i32 to index
        %swap3A_421 = arith.index_cast %swap3A_419 : i32 to index
        %swap3A_422 = arith.index_cast %add3A_361 : i32 to index
        %swap3A_423 = tpu.vector_load %arg8[%swap3A_420, %swap3A_421, %swap3A_422] {strides = array<i32>} : memref<6x8x2048xf32, #tpu.memory_space<vmem>>, vector<16xf32>,
        tpu.vector_store %arg8[%swap3A_420, %swap3A_421, %swap3A_422], %get3A_386 {add = true, strides = array<i32>} : memref<6x8x2048xf32, #tpu.memory_space<vmem>>, vector<16xf32>,
        %swap3A_424 = arith.constant 0 : i32
        %swap3A_425 = arith.index_cast %select_n3A_123 : i32 to index
        %swap3A_426 = arith.index_cast %swap3A_424 : i32 to index
        %swap3A_427 = arith.index_cast %add3A_365 : i32 to index
        %swap3A_428 = tpu.vector_load %arg8[%swap3A_425, %swap3A_426, %swap3A_427] {strides = array<i32>} : memref<6x8x2048xf32, #tpu.memory_space<vmem>>, vector<16xf32>,
        tpu.vector_store %arg8[%swap3A_425, %swap3A_426, %swap3A_427], %get3A_389 {add = true, strides = array<i32>} : memref<6x8x2048xf32, #tpu.memory_space<vmem>>, vector<16xf32>,
      }
      %scan3A_193 = arith.constant 16 : i32
      %slice3A_194 = vector.extract_strided_slice %get3A_164 {offsets = [9], sizes = [1], strides = [1]} : vector<16xi32> to vector<1xi32>
      %squeeze3A_195 = vector.extract %slice3A_194[0] : i32 from vector<1xi32>
      %slice3A_196 = vector.extract_strided_slice %get3A_164 {offsets = [1], sizes = [1], strides = [1]} : vector<16xi32> to vector<1xi32>
      %squeeze3A_197 = vector.extract %slice3A_196[0] : i32 from vector<1xi32>
      %select_n3A_198 = arith.select %eq3A_182, %squeeze3A_195, %squeeze3A_197 : i32
      %mul3A_199 = arith.constant 2048 : i32
      %mul3A_200 = arith.muli %select_n3A_198, %mul3A_199 : i32
      %scan3A_201 = arith.constant 0 : i32
      %scan3A_202 = arith.constant 0 : i32
      %scan3A_203 = arith.constant 16 : i32
      %scan3A_204 = arith.addi %scan3A_202, %scan3A_203 : i32
      %scan3A_205 = arith.constant 1 : i32
      scf.for %scan3A_333 = %scan3A_202 to %scan3A_204 step %scan3A_205  : i32 {
        %mul3A_334 = arith.constant 128 : i32
        %mul3A_335 = arith.muli %scan3A_333, %mul3A_334 : i32
        %add3A_336 = arith.constant 0 : i32
        %add3A_337 = arith.addi %mul3A_335, %add3A_336 : i32
        %mul3A_338 = arith.constant 128 : i32
        %mul3A_339 = arith.muli %scan3A_333, %mul3A_338 : i32
        %add3A_340 = arith.constant 16 : i32
        %add3A_341 = arith.addi %mul3A_339, %add3A_340 : i32
        %mul3A_342 = arith.constant 128 : i32
        %mul3A_343 = arith.muli %scan3A_333, %mul3A_342 : i32
        %add3A_344 = arith.constant 32 : i32
        %add3A_345 = arith.addi %mul3A_343, %add3A_344 : i32
        %mul3A_346 = arith.constant 128 : i32
        %mul3A_347 = arith.muli %scan3A_333, %mul3A_346 : i32
        %add3A_348 = arith.constant 48 : i32
        %add3A_349 = arith.addi %mul3A_347, %add3A_348 : i32
        %mul3A_350 = arith.constant 128 : i32
        %mul3A_351 = arith.muli %scan3A_333, %mul3A_350 : i32
        %add3A_352 = arith.constant 64 : i32
        %add3A_353 = arith.addi %mul3A_351, %add3A_352 : i32
        %mul3A_354 = arith.constant 128 : i32
        %mul3A_355 = arith.muli %scan3A_333, %mul3A_354 : i32
        %add3A_356 = arith.constant 80 : i32
        %add3A_357 = arith.addi %mul3A_355, %add3A_356 : i32
        %mul3A_358 = arith.constant 128 : i32
        %mul3A_359 = arith.muli %scan3A_333, %mul3A_358 : i32
        %add3A_360 = arith.constant 96 : i32
        %add3A_361 = arith.addi %mul3A_359, %add3A_360 : i32
        %mul3A_362 = arith.constant 128 : i32
        %mul3A_363 = arith.muli %scan3A_333, %mul3A_362 : i32
        %add3A_364 = arith.constant 112 : i32
        %add3A_365 = arith.addi %mul3A_363, %add3A_364 : i32
        %add3A_366 = arith.addi %mul3A_200, %add3A_337 : i32
        %get3A_367 = arith.index_cast %add3A_366 : i32 to index
        %get3A_368 = tpu.vector_load %arg6[%get3A_367] {strides = array<i32>} : memref<22528xf32, #tpu.memory_space<vmem>>, vector<16xf32>,
        %add3A_369 = arith.addi %mul3A_200, %add3A_341 : i32
        %get3A_370 = arith.index_cast %add3A_369 : i32 to index
        %get3A_371 = tpu.vector_load %arg6[%get3A_370] {strides = array<i32>} : memref<22528xf32, #tpu.memory_space<vmem>>, vector<16xf32>,
        %add3A_372 = arith.addi %mul3A_200, %add3A_345 : i32
        %get3A_373 = arith.index_cast %add3A_372 : i32 to index
        %get3A_374 = tpu.vector_load %arg6[%get3A_373] {strides = array<i32>} : memref<22528xf32, #tpu.memory_space<vmem>>, vector<16xf32>,
        %add3A_375 = arith.addi %mul3A_200, %add3A_349 : i32
        %get3A_376 = arith.index_cast %add3A_375 : i32 to index
        %get3A_377 = tpu.vector_load %arg6[%get3A_376] {strides = array<i32>} : memref<22528xf32, #tpu.memory_space<vmem>>, vector<16xf32>,
        %add3A_378 = arith.addi %mul3A_200, %add3A_353 : i32
        %get3A_379 = arith.index_cast %add3A_378 : i32 to index
        %get3A_380 = tpu.vector_load %arg6[%get3A_379] {strides = array<i32>} : memref<22528xf32, #tpu.memory_space<vmem>>, vector<16xf32>,
        %add3A_381 = arith.addi %mul3A_200, %add3A_357 : i32
        %get3A_382 = arith.index_cast %add3A_381 : i32 to index
        %get3A_383 = tpu.vector_load %arg6[%get3A_382] {strides = array<i32>} : memref<22528xf32, #tpu.memory_space<vmem>>, vector<16xf32>,
        %add3A_384 = arith.addi %mul3A_200, %add3A_361 : i32
        %get3A_385 = arith.index_cast %add3A_384 : i32 to index
        %get3A_386 = tpu.vector_load %arg6[%get3A_385] {strides = array<i32>} : memref<22528xf32, #tpu.memory_space<vmem>>, vector<16xf32>,
        %add3A_387 = arith.addi %mul3A_200, %add3A_365 : i32
        %get3A_388 = arith.index_cast %add3A_387 : i32 to index
        %get3A_389 = tpu.vector_load %arg6[%get3A_388] {strides = array<i32>} : memref<22528xf32, #tpu.memory_space<vmem>>, vector<16xf32>,
        %swap3A = arith.constant 1 : i32
        %swap3A_390 = arith.index_cast %select_n3A_123 : i32 to index
        %swap3A_391 = arith.index_cast %swap3A : i32 to index
        %swap3A_392 = arith.index_cast %add3A_337 : i32 to index
        %swap3A_393 = tpu.vector_load %arg8[%swap3A_390, %swap3A_391, %swap3A_392] {strides = array<i32>} : memref<6x8x2048xf32, #tpu.memory_space<vmem>>, vector<16xf32>,
        tpu.vector_store %arg8[%swap3A_390, %swap3A_391, %swap3A_392], %get3A_368 {add = true, strides = array<i32>} : memref<6x8x2048xf32, #tpu.memory_space<vmem>>, vector<16xf32>,
        %swap3A_394 = arith.constant 1 : i32
        %swap3A_395 = arith.index_cast %select_n3A_123 : i32 to index
        %swap3A_396 = arith.index_cast %swap3A_394 : i32 to index
        %swap3A_397 = arith.index_cast %add3A_341 : i32 to index
        %swap3A_398 = tpu.vector_load %arg8[%swap3A_395, %swap3A_396, %swap3A_397] {strides = array<i32>} : memref<6x8x2048xf32, #tpu.memory_space<vmem>>, vector<16xf32>,
        tpu.vector_store %arg8[%swap3A_395, %swap3A_396, %swap3A_397], %get3A_371 {add = true, strides = array<i32>} : memref<6x8x2048xf32, #tpu.memory_space<vmem>>, vector<16xf32>,
        %swap3A_399 = arith.constant 1 : i32
        %swap3A_400 = arith.index_cast %select_n3A_123 : i32 to index
        %swap3A_401 = arith.index_cast %swap3A_399 : i32 to index
        %swap3A_402 = arith.index_cast %add3A_345 : i32 to index
        %swap3A_403 = tpu.vector_load %arg8[%swap3A_400, %swap3A_401, %swap3A_402] {strides = array<i32>} : memref<6x8x2048xf32, #tpu.memory_space<vmem>>, vector<16xf32>,
        tpu.vector_store %arg8[%swap3A_400, %swap3A_401, %swap3A_402], %get3A_374 {add = true, strides = array<i32>} : memref<6x8x2048xf32, #tpu.memory_space<vmem>>, vector<16xf32>,
        %swap3A_404 = arith.constant 1 : i32
        %swap3A_405 = arith.index_cast %select_n3A_123 : i32 to index
        %swap3A_406 = arith.index_cast %swap3A_404 : i32 to index
        %swap3A_407 = arith.index_cast %add3A_349 : i32 to index
        %swap3A_408 = tpu.vector_load %arg8[%swap3A_405, %swap3A_406, %swap3A_407] {strides = array<i32>} : memref<6x8x2048xf32, #tpu.memory_space<vmem>>, vector<16xf32>,
        tpu.vector_store %arg8[%swap3A_405, %swap3A_406, %swap3A_407], %get3A_377 {add = true, strides = array<i32>} : memref<6x8x2048xf32, #tpu.memory_space<vmem>>, vector<16xf32>,
        %swap3A_409 = arith.constant 1 : i32
        %swap3A_410 = arith.index_cast %select_n3A_123 : i32 to index
        %swap3A_411 = arith.index_cast %swap3A_409 : i32 to index
        %swap3A_412 = arith.index_cast %add3A_353 : i32 to index
        %swap3A_413 = tpu.vector_load %arg8[%swap3A_410, %swap3A_411, %swap3A_412] {strides = array<i32>} : memref<6x8x2048xf32, #tpu.memory_space<vmem>>, vector<16xf32>,
        tpu.vector_store %arg8[%swap3A_410, %swap3A_411, %swap3A_412], %get3A_380 {add = true, strides = array<i32>} : memref<6x8x2048xf32, #tpu.memory_space<vmem>>, vector<16xf32>,
        %swap3A_414 = arith.constant 1 : i32
        %swap3A_415 = arith.index_cast %select_n3A_123 : i32 to index
        %swap3A_416 = arith.index_cast %swap3A_414 : i32 to index
        %swap3A_417 = arith.index_cast %add3A_357 : i32 to index
        %swap3A_418 = tpu.vector_load %arg8[%swap3A_415, %swap3A_416, %swap3A_417] {strides = array<i32>} : memref<6x8x2048xf32, #tpu.memory_space<vmem>>, vector<16xf32>,
        tpu.vector_store %arg8[%swap3A_415, %swap3A_416, %swap3A_417], %get3A_383 {add = true, strides = array<i32>} : memref<6x8x2048xf32, #tpu.memory_space<vmem>>, vector<16xf32>,
        %swap3A_419 = arith.constant 1 : i32
        %swap3A_420 = arith.index_cast %select_n3A_123 : i32 to index
        %swap3A_421 = arith.index_cast %swap3A_419 : i32 to index
        %swap3A_422 = arith.index_cast %add3A_361 : i32 to index
        %swap3A_423 = tpu.vector_load %arg8[%swap3A_420, %swap3A_421, %swap3A_422] {strides = array<i32>} : memref<6x8x2048xf32, #tpu.memory_space<vmem>>, vector<16xf32>,
        tpu.vector_store %arg8[%swap3A_420, %swap3A_421, %swap3A_422], %get3A_386 {add = true, strides = array<i32>} : memref<6x8x2048xf32, #tpu.memory_space<vmem>>, vector<16xf32>,
        %swap3A_424 = arith.constant 1 : i32
        %swap3A_425 = arith.index_cast %select_n3A_123 : i32 to index
        %swap3A_426 = arith.index_cast %swap3A_424 : i32 to index
        %swap3A_427 = arith.index_cast %add3A_365 : i32 to index
        %swap3A_428 = tpu.vector_load %arg8[%swap3A_425, %swap3A_426, %swap3A_427] {strides = array<i32>} : memref<6x8x2048xf32, #tpu.memory_space<vmem>>, vector<16xf32>,
        tpu.vector_store %arg8[%swap3A_425, %swap3A_426, %swap3A_427], %get3A_389 {add = true, strides = array<i32>} : memref<6x8x2048xf32, #tpu.memory_space<vmem>>, vector<16xf32>,
      }
      %scan3A_206 = arith.constant 16 : i32
      %slice3A_207 = vector.extract_strided_slice %get3A_164 {offsets = [10], sizes = [1], strides = [1]} : vector<16xi32> to vector<1xi32>
      %squeeze3A_208 = vector.extract %slice3A_207[0] : i32 from vector<1xi32>
      %slice3A_209 = vector.extract_strided_slice %get3A_164 {offsets = [2], sizes = [1], strides = [1]} : vector<16xi32> to vector<1xi32>
      %squeeze3A_210 = vector.extract %slice3A_209[0] : i32 from vector<1xi32>
      %select_n3A_211 = arith.select %eq3A_182, %squeeze3A_208, %squeeze3A_210 : i32
      %mul3A_212 = arith.constant 2048 : i32
      %mul3A_213 = arith.muli %select_n3A_211, %mul3A_212 : i32
      %scan3A_214 = arith.constant 0 : i32
      %scan3A_215 = arith.constant 0 : i32
      %scan3A_216 = arith.constant 16 : i32
      %scan3A_217 = arith.addi %scan3A_215, %scan3A_216 : i32
      %scan3A_218 = arith.constant 1 : i32
      scf.for %scan3A_333 = %scan3A_215 to %scan3A_217 step %scan3A_218  : i32 {
        %mul3A_334 = arith.constant 128 : i32
        %mul3A_335 = arith.muli %scan3A_333, %mul3A_334 : i32
        %add3A_336 = arith.constant 0 : i32
        %add3A_337 = arith.addi %mul3A_335, %add3A_336 : i32
        %mul3A_338 = arith.constant 128 : i32
        %mul3A_339 = arith.muli %scan3A_333, %mul3A_338 : i32
        %add3A_340 = arith.constant 16 : i32
        %add3A_341 = arith.addi %mul3A_339, %add3A_340 : i32
        %mul3A_342 = arith.constant 128 : i32
        %mul3A_343 = arith.muli %scan3A_333, %mul3A_342 : i32
        %add3A_344 = arith.constant 32 : i32
        %add3A_345 = arith.addi %mul3A_343, %add3A_344 : i32
        %mul3A_346 = arith.constant 128 : i32
        %mul3A_347 = arith.muli %scan3A_333, %mul3A_346 : i32
        %add3A_348 = arith.constant 48 : i32
        %add3A_349 = arith.addi %mul3A_347, %add3A_348 : i32
        %mul3A_350 = arith.constant 128 : i32
        %mul3A_351 = arith.muli %scan3A_333, %mul3A_350 : i32
        %add3A_352 = arith.constant 64 : i32
        %add3A_353 = arith.addi %mul3A_351, %add3A_352 : i32
        %mul3A_354 = arith.constant 128 : i32
        %mul3A_355 = arith.muli %scan3A_333, %mul3A_354 : i32
        %add3A_356 = arith.constant 80 : i32
        %add3A_357 = arith.addi %mul3A_355, %add3A_356 : i32
        %mul3A_358 = arith.constant 128 : i32
        %mul3A_359 = arith.muli %scan3A_333, %mul3A_358 : i32
        %add3A_360 = arith.constant 96 : i32
        %add3A_361 = arith.addi %mul3A_359, %add3A_360 : i32
        %mul3A_362 = arith.constant 128 : i32
        %mul3A_363 = arith.muli %scan3A_333, %mul3A_362 : i32
        %add3A_364 = arith.constant 112 : i32
        %add3A_365 = arith.addi %mul3A_363, %add3A_364 : i32
        %add3A_366 = arith.addi %mul3A_213, %add3A_337 : i32
        %get3A_367 = arith.index_cast %add3A_366 : i32 to index
        %get3A_368 = tpu.vector_load %arg6[%get3A_367] {strides = array<i32>} : memref<22528xf32, #tpu.memory_space<vmem>>, vector<16xf32>,
        %add3A_369 = arith.addi %mul3A_213, %add3A_341 : i32
        %get3A_370 = arith.index_cast %add3A_369 : i32 to index
        %get3A_371 = tpu.vector_load %arg6[%get3A_370] {strides = array<i32>} : memref<22528xf32, #tpu.memory_space<vmem>>, vector<16xf32>,
        %add3A_372 = arith.addi %mul3A_213, %add3A_345 : i32
        %get3A_373 = arith.index_cast %add3A_372 : i32 to index
        %get3A_374 = tpu.vector_load %arg6[%get3A_373] {strides = array<i32>} : memref<22528xf32, #tpu.memory_space<vmem>>, vector<16xf32>,
        %add3A_375 = arith.addi %mul3A_213, %add3A_349 : i32
        %get3A_376 = arith.index_cast %add3A_375 : i32 to index
        %get3A_377 = tpu.vector_load %arg6[%get3A_376] {strides = array<i32>} : memref<22528xf32, #tpu.memory_space<vmem>>, vector<16xf32>,
        %add3A_378 = arith.addi %mul3A_213, %add3A_353 : i32
        %get3A_379 = arith.index_cast %add3A_378 : i32 to index
        %get3A_380 = tpu.vector_load %arg6[%get3A_379] {strides = array<i32>} : memref<22528xf32, #tpu.memory_space<vmem>>, vector<16xf32>,
        %add3A_381 = arith.addi %mul3A_213, %add3A_357 : i32
        %get3A_382 = arith.index_cast %add3A_381 : i32 to index
        %get3A_383 = tpu.vector_load %arg6[%get3A_382] {strides = array<i32>} : memref<22528xf32, #tpu.memory_space<vmem>>, vector<16xf32>,
        %add3A_384 = arith.addi %mul3A_213, %add3A_361 : i32
        %get3A_385 = arith.index_cast %add3A_384 : i32 to index
        %get3A_386 = tpu.vector_load %arg6[%get3A_385] {strides = array<i32>} : memref<22528xf32, #tpu.memory_space<vmem>>, vector<16xf32>,
        %add3A_387 = arith.addi %mul3A_213, %add3A_365 : i32
        %get3A_388 = arith.index_cast %add3A_387 : i32 to index
        %get3A_389 = tpu.vector_load %arg6[%get3A_388] {strides = array<i32>} : memref<22528xf32, #tpu.memory_space<vmem>>, vector<16xf32>,
        %swap3A = arith.constant 2 : i32
        %swap3A_390 = arith.index_cast %select_n3A_123 : i32 to index
        %swap3A_391 = arith.index_cast %swap3A : i32 to index
        %swap3A_392 = arith.index_cast %add3A_337 : i32 to index
        %swap3A_393 = tpu.vector_load %arg8[%swap3A_390, %swap3A_391, %swap3A_392] {strides = array<i32>} : memref<6x8x2048xf32, #tpu.memory_space<vmem>>, vector<16xf32>,
        tpu.vector_store %arg8[%swap3A_390, %swap3A_391, %swap3A_392], %get3A_368 {add = true, strides = array<i32>} : memref<6x8x2048xf32, #tpu.memory_space<vmem>>, vector<16xf32>,
        %swap3A_394 = arith.constant 2 : i32
        %swap3A_395 = arith.index_cast %select_n3A_123 : i32 to index
        %swap3A_396 = arith.index_cast %swap3A_394 : i32 to index
        %swap3A_397 = arith.index_cast %add3A_341 : i32 to index
        %swap3A_398 = tpu.vector_load %arg8[%swap3A_395, %swap3A_396, %swap3A_397] {strides = array<i32>} : memref<6x8x2048xf32, #tpu.memory_space<vmem>>, vector<16xf32>,
        tpu.vector_store %arg8[%swap3A_395, %swap3A_396, %swap3A_397], %get3A_371 {add = true, strides = array<i32>} : memref<6x8x2048xf32, #tpu.memory_space<vmem>>, vector<16xf32>,
        %swap3A_399 = arith.constant 2 : i32
        %swap3A_400 = arith.index_cast %select_n3A_123 : i32 to index
        %swap3A_401 = arith.index_cast %swap3A_399 : i32 to index
        %swap3A_402 = arith.index_cast %add3A_345 : i32 to index
        %swap3A_403 = tpu.vector_load %arg8[%swap3A_400, %swap3A_401, %swap3A_402] {strides = array<i32>} : memref<6x8x2048xf32, #tpu.memory_space<vmem>>, vector<16xf32>,
        tpu.vector_store %arg8[%swap3A_400, %swap3A_401, %swap3A_402], %get3A_374 {add = true, strides = array<i32>} : memref<6x8x2048xf32, #tpu.memory_space<vmem>>, vector<16xf32>,
        %swap3A_404 = arith.constant 2 : i32
        %swap3A_405 = arith.index_cast %select_n3A_123 : i32 to index
        %swap3A_406 = arith.index_cast %swap3A_404 : i32 to index
        %swap3A_407 = arith.index_cast %add3A_349 : i32 to index
        %swap3A_408 = tpu.vector_load %arg8[%swap3A_405, %swap3A_406, %swap3A_407] {strides = array<i32>} : memref<6x8x2048xf32, #tpu.memory_space<vmem>>, vector<16xf32>,
        tpu.vector_store %arg8[%swap3A_405, %swap3A_406, %swap3A_407], %get3A_377 {add = true, strides = array<i32>} : memref<6x8x2048xf32, #tpu.memory_space<vmem>>, vector<16xf32>,
        %swap3A_409 = arith.constant 2 : i32
        %swap3A_410 = arith.index_cast %select_n3A_123 : i32 to index
        %swap3A_411 = arith.index_cast %swap3A_409 : i32 to index
        %swap3A_412 = arith.index_cast %add3A_353 : i32 to index
        %swap3A_413 = tpu.vector_load %arg8[%swap3A_410, %swap3A_411, %swap3A_412] {strides = array<i32>} : memref<6x8x2048xf32, #tpu.memory_space<vmem>>, vector<16xf32>,
        tpu.vector_store %arg8[%swap3A_410, %swap3A_411, %swap3A_412], %get3A_380 {add = true, strides = array<i32>} : memref<6x8x2048xf32, #tpu.memory_space<vmem>>, vector<16xf32>,
        %swap3A_414 = arith.constant 2 : i32
        %swap3A_415 = arith.index_cast %select_n3A_123 : i32 to index
        %swap3A_416 = arith.index_cast %swap3A_414 : i32 to index
        %swap3A_417 = arith.index_cast %add3A_357 : i32 to index
        %swap3A_418 = tpu.vector_load %arg8[%swap3A_415, %swap3A_416, %swap3A_417] {strides = array<i32>} : memref<6x8x2048xf32, #tpu.memory_space<vmem>>, vector<16xf32>,
        tpu.vector_store %arg8[%swap3A_415, %swap3A_416, %swap3A_417], %get3A_383 {add = true, strides = array<i32>} : memref<6x8x2048xf32, #tpu.memory_space<vmem>>, vector<16xf32>,
        %swap3A_419 = arith.constant 2 : i32
        %swap3A_420 = arith.index_cast %select_n3A_123 : i32 to index
        %swap3A_421 = arith.index_cast %swap3A_419 : i32 to index
        %swap3A_422 = arith.index_cast %add3A_361 : i32 to index
        %swap3A_423 = tpu.vector_load %arg8[%swap3A_420, %swap3A_421, %swap3A_422] {strides = array<i32>} : memref<6x8x2048xf32, #tpu.memory_space<vmem>>, vector<16xf32>,
        tpu.vector_store %arg8[%swap3A_420, %swap3A_421, %swap3A_422], %get3A_386 {add = true, strides = array<i32>} : memref<6x8x2048xf32, #tpu.memory_space<vmem>>, vector<16xf32>,
        %swap3A_424 = arith.constant 2 : i32
        %swap3A_425 = arith.index_cast %select_n3A_123 : i32 to index
        %swap3A_426 = arith.index_cast %swap3A_424 : i32 to index
        %swap3A_427 = arith.index_cast %add3A_365 : i32 to index
        %swap3A_428 = tpu.vector_load %arg8[%swap3A_425, %swap3A_426, %swap3A_427] {strides = array<i32>} : memref<6x8x2048xf32, #tpu.memory_space<vmem>>, vector<16xf32>,
        tpu.vector_store %arg8[%swap3A_425, %swap3A_426, %swap3A_427], %get3A_389 {add = true, strides = array<i32>} : memref<6x8x2048xf32, #tpu.memory_space<vmem>>, vector<16xf32>,
      }
      %scan3A_219 = arith.constant 16 : i32
      %slice3A_220 = vector.extract_strided_slice %get3A_164 {offsets = [11], sizes = [1], strides = [1]} : vector<16xi32> to vector<1xi32>
      %squeeze3A_221 = vector.extract %slice3A_220[0] : i32 from vector<1xi32>
      %slice3A_222 = vector.extract_strided_slice %get3A_164 {offsets = [3], sizes = [1], strides = [1]} : vector<16xi32> to vector<1xi32>
      %squeeze3A_223 = vector.extract %slice3A_222[0] : i32 from vector<1xi32>
      %select_n3A_224 = arith.select %eq3A_182, %squeeze3A_221, %squeeze3A_223 : i32
      %mul3A_225 = arith.constant 2048 : i32
      %mul3A_226 = arith.muli %select_n3A_224, %mul3A_225 : i32
      %scan3A_227 = arith.constant 0 : i32
      %scan3A_228 = arith.constant 0 : i32
      %scan3A_229 = arith.constant 16 : i32
      %scan3A_230 = arith.addi %scan3A_228, %scan3A_229 : i32
      %scan3A_231 = arith.constant 1 : i32
      scf.for %scan3A_333 = %scan3A_228 to %scan3A_230 step %scan3A_231  : i32 {
        %mul3A_334 = arith.constant 128 : i32
        %mul3A_335 = arith.muli %scan3A_333, %mul3A_334 : i32
        %add3A_336 = arith.constant 0 : i32
        %add3A_337 = arith.addi %mul3A_335, %add3A_336 : i32
        %mul3A_338 = arith.constant 128 : i32
        %mul3A_339 = arith.muli %scan3A_333, %mul3A_338 : i32
        %add3A_340 = arith.constant 16 : i32
        %add3A_341 = arith.addi %mul3A_339, %add3A_340 : i32
        %mul3A_342 = arith.constant 128 : i32
        %mul3A_343 = arith.muli %scan3A_333, %mul3A_342 : i32
        %add3A_344 = arith.constant 32 : i32
        %add3A_345 = arith.addi %mul3A_343, %add3A_344 : i32
        %mul3A_346 = arith.constant 128 : i32
        %mul3A_347 = arith.muli %scan3A_333, %mul3A_346 : i32
        %add3A_348 = arith.constant 48 : i32
        %add3A_349 = arith.addi %mul3A_347, %add3A_348 : i32
        %mul3A_350 = arith.constant 128 : i32
        %mul3A_351 = arith.muli %scan3A_333, %mul3A_350 : i32
        %add3A_352 = arith.constant 64 : i32
        %add3A_353 = arith.addi %mul3A_351, %add3A_352 : i32
        %mul3A_354 = arith.constant 128 : i32
        %mul3A_355 = arith.muli %scan3A_333, %mul3A_354 : i32
        %add3A_356 = arith.constant 80 : i32
        %add3A_357 = arith.addi %mul3A_355, %add3A_356 : i32
        %mul3A_358 = arith.constant 128 : i32
        %mul3A_359 = arith.muli %scan3A_333, %mul3A_358 : i32
        %add3A_360 = arith.constant 96 : i32
        %add3A_361 = arith.addi %mul3A_359, %add3A_360 : i32
        %mul3A_362 = arith.constant 128 : i32
        %mul3A_363 = arith.muli %scan3A_333, %mul3A_362 : i32
        %add3A_364 = arith.constant 112 : i32
        %add3A_365 = arith.addi %mul3A_363, %add3A_364 : i32
        %add3A_366 = arith.addi %mul3A_226, %add3A_337 : i32
        %get3A_367 = arith.index_cast %add3A_366 : i32 to index
        %get3A_368 = tpu.vector_load %arg6[%get3A_367] {strides = array<i32>} : memref<22528xf32, #tpu.memory_space<vmem>>, vector<16xf32>,
        %add3A_369 = arith.addi %mul3A_226, %add3A_341 : i32
        %get3A_370 = arith.index_cast %add3A_369 : i32 to index
        %get3A_371 = tpu.vector_load %arg6[%get3A_370] {strides = array<i32>} : memref<22528xf32, #tpu.memory_space<vmem>>, vector<16xf32>,
        %add3A_372 = arith.addi %mul3A_226, %add3A_345 : i32
        %get3A_373 = arith.index_cast %add3A_372 : i32 to index
        %get3A_374 = tpu.vector_load %arg6[%get3A_373] {strides = array<i32>} : memref<22528xf32, #tpu.memory_space<vmem>>, vector<16xf32>,
        %add3A_375 = arith.addi %mul3A_226, %add3A_349 : i32
        %get3A_376 = arith.index_cast %add3A_375 : i32 to index
        %get3A_377 = tpu.vector_load %arg6[%get3A_376] {strides = array<i32>} : memref<22528xf32, #tpu.memory_space<vmem>>, vector<16xf32>,
        %add3A_378 = arith.addi %mul3A_226, %add3A_353 : i32
        %get3A_379 = arith.index_cast %add3A_378 : i32 to index
        %get3A_380 = tpu.vector_load %arg6[%get3A_379] {strides = array<i32>} : memref<22528xf32, #tpu.memory_space<vmem>>, vector<16xf32>,
        %add3A_381 = arith.addi %mul3A_226, %add3A_357 : i32
        %get3A_382 = arith.index_cast %add3A_381 : i32 to index
        %get3A_383 = tpu.vector_load %arg6[%get3A_382] {strides = array<i32>} : memref<22528xf32, #tpu.memory_space<vmem>>, vector<16xf32>,
        %add3A_384 = arith.addi %mul3A_226, %add3A_361 : i32
        %get3A_385 = arith.index_cast %add3A_384 : i32 to index
        %get3A_386 = tpu.vector_load %arg6[%get3A_385] {strides = array<i32>} : memref<22528xf32, #tpu.memory_space<vmem>>, vector<16xf32>,
        %add3A_387 = arith.addi %mul3A_226, %add3A_365 : i32
        %get3A_388 = arith.index_cast %add3A_387 : i32 to index
        %get3A_389 = tpu.vector_load %arg6[%get3A_388] {strides = array<i32>} : memref<22528xf32, #tpu.memory_space<vmem>>, vector<16xf32>,
        %swap3A = arith.constant 3 : i32
        %swap3A_390 = arith.index_cast %select_n3A_123 : i32 to index
        %swap3A_391 = arith.index_cast %swap3A : i32 to index
        %swap3A_392 = arith.index_cast %add3A_337 : i32 to index
        %swap3A_393 = tpu.vector_load %arg8[%swap3A_390, %swap3A_391, %swap3A_392] {strides = array<i32>} : memref<6x8x2048xf32, #tpu.memory_space<vmem>>, vector<16xf32>,
        tpu.vector_store %arg8[%swap3A_390, %swap3A_391, %swap3A_392], %get3A_368 {add = true, strides = array<i32>} : memref<6x8x2048xf32, #tpu.memory_space<vmem>>, vector<16xf32>,
        %swap3A_394 = arith.constant 3 : i32
        %swap3A_395 = arith.index_cast %select_n3A_123 : i32 to index
        %swap3A_396 = arith.index_cast %swap3A_394 : i32 to index
        %swap3A_397 = arith.index_cast %add3A_341 : i32 to index
        %swap3A_398 = tpu.vector_load %arg8[%swap3A_395, %swap3A_396, %swap3A_397] {strides = array<i32>} : memref<6x8x2048xf32, #tpu.memory_space<vmem>>, vector<16xf32>,
        tpu.vector_store %arg8[%swap3A_395, %swap3A_396, %swap3A_397], %get3A_371 {add = true, strides = array<i32>} : memref<6x8x2048xf32, #tpu.memory_space<vmem>>, vector<16xf32>,
        %swap3A_399 = arith.constant 3 : i32
        %swap3A_400 = arith.index_cast %select_n3A_123 : i32 to index
        %swap3A_401 = arith.index_cast %swap3A_399 : i32 to index
        %swap3A_402 = arith.index_cast %add3A_345 : i32 to index
        %swap3A_403 = tpu.vector_load %arg8[%swap3A_400, %swap3A_401, %swap3A_402] {strides = array<i32>} : memref<6x8x2048xf32, #tpu.memory_space<vmem>>, vector<16xf32>,
        tpu.vector_store %arg8[%swap3A_400, %swap3A_401, %swap3A_402], %get3A_374 {add = true, strides = array<i32>} : memref<6x8x2048xf32, #tpu.memory_space<vmem>>, vector<16xf32>,
        %swap3A_404 = arith.constant 3 : i32
        %swap3A_405 = arith.index_cast %select_n3A_123 : i32 to index
        %swap3A_406 = arith.index_cast %swap3A_404 : i32 to index
        %swap3A_407 = arith.index_cast %add3A_349 : i32 to index
        %swap3A_408 = tpu.vector_load %arg8[%swap3A_405, %swap3A_406, %swap3A_407] {strides = array<i32>} : memref<6x8x2048xf32, #tpu.memory_space<vmem>>, vector<16xf32>,
        tpu.vector_store %arg8[%swap3A_405, %swap3A_406, %swap3A_407], %get3A_377 {add = true, strides = array<i32>} : memref<6x8x2048xf32, #tpu.memory_space<vmem>>, vector<16xf32>,
        %swap3A_409 = arith.constant 3 : i32
        %swap3A_410 = arith.index_cast %select_n3A_123 : i32 to index
        %swap3A_411 = arith.index_cast %swap3A_409 : i32 to index
        %swap3A_412 = arith.index_cast %add3A_353 : i32 to index
        %swap3A_413 = tpu.vector_load %arg8[%swap3A_410, %swap3A_411, %swap3A_412] {strides = array<i32>} : memref<6x8x2048xf32, #tpu.memory_space<vmem>>, vector<16xf32>,
        tpu.vector_store %arg8[%swap3A_410, %swap3A_411, %swap3A_412], %get3A_380 {add = true, strides = array<i32>} : memref<6x8x2048xf32, #tpu.memory_space<vmem>>, vector<16xf32>,
        %swap3A_414 = arith.constant 3 : i32
        %swap3A_415 = arith.index_cast %select_n3A_123 : i32 to index
        %swap3A_416 = arith.index_cast %swap3A_414 : i32 to index
        %swap3A_417 = arith.index_cast %add3A_357 : i32 to index
        %swap3A_418 = tpu.vector_load %arg8[%swap3A_415, %swap3A_416, %swap3A_417] {strides = array<i32>} : memref<6x8x2048xf32, #tpu.memory_space<vmem>>, vector<16xf32>,
        tpu.vector_store %arg8[%swap3A_415, %swap3A_416, %swap3A_417], %get3A_383 {add = true, strides = array<i32>} : memref<6x8x2048xf32, #tpu.memory_space<vmem>>, vector<16xf32>,
        %swap3A_419 = arith.constant 3 : i32
        %swap3A_420 = arith.index_cast %select_n3A_123 : i32 to index
        %swap3A_421 = arith.index_cast %swap3A_419 : i32 to index
        %swap3A_422 = arith.index_cast %add3A_361 : i32 to index
        %swap3A_423 = tpu.vector_load %arg8[%swap3A_420, %swap3A_421, %swap3A_422] {strides = array<i32>} : memref<6x8x2048xf32, #tpu.memory_space<vmem>>, vector<16xf32>,
        tpu.vector_store %arg8[%swap3A_420, %swap3A_421, %swap3A_422], %get3A_386 {add = true, strides = array<i32>} : memref<6x8x2048xf32, #tpu.memory_space<vmem>>, vector<16xf32>,
        %swap3A_424 = arith.constant 3 : i32
        %swap3A_425 = arith.index_cast %select_n3A_123 : i32 to index
        %swap3A_426 = arith.index_cast %swap3A_424 : i32 to index
        %swap3A_427 = arith.index_cast %add3A_365 : i32 to index
        %swap3A_428 = tpu.vector_load %arg8[%swap3A_425, %swap3A_426, %swap3A_427] {strides = array<i32>} : memref<6x8x2048xf32, #tpu.memory_space<vmem>>, vector<16xf32>,
        tpu.vector_store %arg8[%swap3A_425, %swap3A_426, %swap3A_427], %get3A_389 {add = true, strides = array<i32>} : memref<6x8x2048xf32, #tpu.memory_space<vmem>>, vector<16xf32>,
      }
      %scan3A_232 = arith.constant 16 : i32
      %slice3A_233 = vector.extract_strided_slice %get3A_164 {offsets = [12], sizes = [1], strides = [1]} : vector<16xi32> to vector<1xi32>
      %squeeze3A_234 = vector.extract %slice3A_233[0] : i32 from vector<1xi32>
      %slice3A_235 = vector.extract_strided_slice %get3A_164 {offsets = [4], sizes = [1], strides = [1]} : vector<16xi32> to vector<1xi32>
      %squeeze3A_236 = vector.extract %slice3A_235[0] : i32 from vector<1xi32>
      %select_n3A_237 = arith.select %eq3A_182, %squeeze3A_234, %squeeze3A_236 : i32
      %mul3A_238 = arith.constant 2048 : i32
      %mul3A_239 = arith.muli %select_n3A_237, %mul3A_238 : i32
      %scan3A_240 = arith.constant 0 : i32
      %scan3A_241 = arith.constant 0 : i32
      %scan3A_242 = arith.constant 16 : i32
      %scan3A_243 = arith.addi %scan3A_241, %scan3A_242 : i32
      %scan3A_244 = arith.constant 1 : i32
      scf.for %scan3A_333 = %scan3A_241 to %scan3A_243 step %scan3A_244  : i32 {
        %mul3A_334 = arith.constant 128 : i32
        %mul3A_335 = arith.muli %scan3A_333, %mul3A_334 : i32
        %add3A_336 = arith.constant 0 : i32
        %add3A_337 = arith.addi %mul3A_335, %add3A_336 : i32
        %mul3A_338 = arith.constant 128 : i32
        %mul3A_339 = arith.muli %scan3A_333, %mul3A_338 : i32
        %add3A_340 = arith.constant 16 : i32
        %add3A_341 = arith.addi %mul3A_339, %add3A_340 : i32
        %mul3A_342 = arith.constant 128 : i32
        %mul3A_343 = arith.muli %scan3A_333, %mul3A_342 : i32
        %add3A_344 = arith.constant 32 : i32
        %add3A_345 = arith.addi %mul3A_343, %add3A_344 : i32
        %mul3A_346 = arith.constant 128 : i32
        %mul3A_347 = arith.muli %scan3A_333, %mul3A_346 : i32
        %add3A_348 = arith.constant 48 : i32
        %add3A_349 = arith.addi %mul3A_347, %add3A_348 : i32
        %mul3A_350 = arith.constant 128 : i32
        %mul3A_351 = arith.muli %scan3A_333, %mul3A_350 : i32
        %add3A_352 = arith.constant 64 : i32
        %add3A_353 = arith.addi %mul3A_351, %add3A_352 : i32
        %mul3A_354 = arith.constant 128 : i32
        %mul3A_355 = arith.muli %scan3A_333, %mul3A_354 : i32
        %add3A_356 = arith.constant 80 : i32
        %add3A_357 = arith.addi %mul3A_355, %add3A_356 : i32
        %mul3A_358 = arith.constant 128 : i32
        %mul3A_359 = arith.muli %scan3A_333, %mul3A_358 : i32
        %add3A_360 = arith.constant 96 : i32
        %add3A_361 = arith.addi %mul3A_359, %add3A_360 : i32
        %mul3A_362 = arith.constant 128 : i32
        %mul3A_363 = arith.muli %scan3A_333, %mul3A_362 : i32
        %add3A_364 = arith.constant 112 : i32
        %add3A_365 = arith.addi %mul3A_363, %add3A_364 : i32
        %add3A_366 = arith.addi %mul3A_239, %add3A_337 : i32
        %get3A_367 = arith.index_cast %add3A_366 : i32 to index
        %get3A_368 = tpu.vector_load %arg6[%get3A_367] {strides = array<i32>} : memref<22528xf32, #tpu.memory_space<vmem>>, vector<16xf32>,
        %add3A_369 = arith.addi %mul3A_239, %add3A_341 : i32
        %get3A_370 = arith.index_cast %add3A_369 : i32 to index
        %get3A_371 = tpu.vector_load %arg6[%get3A_370] {strides = array<i32>} : memref<22528xf32, #tpu.memory_space<vmem>>, vector<16xf32>,
        %add3A_372 = arith.addi %mul3A_239, %add3A_345 : i32
        %get3A_373 = arith.index_cast %add3A_372 : i32 to index
        %get3A_374 = tpu.vector_load %arg6[%get3A_373] {strides = array<i32>} : memref<22528xf32, #tpu.memory_space<vmem>>, vector<16xf32>,
        %add3A_375 = arith.addi %mul3A_239, %add3A_349 : i32
        %get3A_376 = arith.index_cast %add3A_375 : i32 to index
        %get3A_377 = tpu.vector_load %arg6[%get3A_376] {strides = array<i32>} : memref<22528xf32, #tpu.memory_space<vmem>>, vector<16xf32>,
        %add3A_378 = arith.addi %mul3A_239, %add3A_353 : i32
        %get3A_379 = arith.index_cast %add3A_378 : i32 to index
        %get3A_380 = tpu.vector_load %arg6[%get3A_379] {strides = array<i32>} : memref<22528xf32, #tpu.memory_space<vmem>>, vector<16xf32>,
        %add3A_381 = arith.addi %mul3A_239, %add3A_357 : i32
        %get3A_382 = arith.index_cast %add3A_381 : i32 to index
        %get3A_383 = tpu.vector_load %arg6[%get3A_382] {strides = array<i32>} : memref<22528xf32, #tpu.memory_space<vmem>>, vector<16xf32>,
        %add3A_384 = arith.addi %mul3A_239, %add3A_361 : i32
        %get3A_385 = arith.index_cast %add3A_384 : i32 to index
        %get3A_386 = tpu.vector_load %arg6[%get3A_385] {strides = array<i32>} : memref<22528xf32, #tpu.memory_space<vmem>>, vector<16xf32>,
        %add3A_387 = arith.addi %mul3A_239, %add3A_365 : i32
        %get3A_388 = arith.index_cast %add3A_387 : i32 to index
        %get3A_389 = tpu.vector_load %arg6[%get3A_388] {strides = array<i32>} : memref<22528xf32, #tpu.memory_space<vmem>>, vector<16xf32>,
        %swap3A = arith.constant 4 : i32
        %swap3A_390 = arith.index_cast %select_n3A_123 : i32 to index
        %swap3A_391 = arith.index_cast %swap3A : i32 to index
        %swap3A_392 = arith.index_cast %add3A_337 : i32 to index
        %swap3A_393 = tpu.vector_load %arg8[%swap3A_390, %swap3A_391, %swap3A_392] {strides = array<i32>} : memref<6x8x2048xf32, #tpu.memory_space<vmem>>, vector<16xf32>,
        tpu.vector_store %arg8[%swap3A_390, %swap3A_391, %swap3A_392], %get3A_368 {add = true, strides = array<i32>} : memref<6x8x2048xf32, #tpu.memory_space<vmem>>, vector<16xf32>,
        %swap3A_394 = arith.constant 4 : i32
        %swap3A_395 = arith.index_cast %select_n3A_123 : i32 to index
        %swap3A_396 = arith.index_cast %swap3A_394 : i32 to index
        %swap3A_397 = arith.index_cast %add3A_341 : i32 to index
        %swap3A_398 = tpu.vector_load %arg8[%swap3A_395, %swap3A_396, %swap3A_397] {strides = array<i32>} : memref<6x8x2048xf32, #tpu.memory_space<vmem>>, vector<16xf32>,
        tpu.vector_store %arg8[%swap3A_395, %swap3A_396, %swap3A_397], %get3A_371 {add = true, strides = array<i32>} : memref<6x8x2048xf32, #tpu.memory_space<vmem>>, vector<16xf32>,
        %swap3A_399 = arith.constant 4 : i32
        %swap3A_400 = arith.index_cast %select_n3A_123 : i32 to index
        %swap3A_401 = arith.index_cast %swap3A_399 : i32 to index
        %swap3A_402 = arith.index_cast %add3A_345 : i32 to index
        %swap3A_403 = tpu.vector_load %arg8[%swap3A_400, %swap3A_401, %swap3A_402] {strides = array<i32>} : memref<6x8x2048xf32, #tpu.memory_space<vmem>>, vector<16xf32>,
        tpu.vector_store %arg8[%swap3A_400, %swap3A_401, %swap3A_402], %get3A_374 {add = true, strides = array<i32>} : memref<6x8x2048xf32, #tpu.memory_space<vmem>>, vector<16xf32>,
        %swap3A_404 = arith.constant 4 : i32
        %swap3A_405 = arith.index_cast %select_n3A_123 : i32 to index
        %swap3A_406 = arith.index_cast %swap3A_404 : i32 to index
        %swap3A_407 = arith.index_cast %add3A_349 : i32 to index
        %swap3A_408 = tpu.vector_load %arg8[%swap3A_405, %swap3A_406, %swap3A_407] {strides = array<i32>} : memref<6x8x2048xf32, #tpu.memory_space<vmem>>, vector<16xf32>,
        tpu.vector_store %arg8[%swap3A_405, %swap3A_406, %swap3A_407], %get3A_377 {add = true, strides = array<i32>} : memref<6x8x2048xf32, #tpu.memory_space<vmem>>, vector<16xf32>,
        %swap3A_409 = arith.constant 4 : i32
        %swap3A_410 = arith.index_cast %select_n3A_123 : i32 to index
        %swap3A_411 = arith.index_cast %swap3A_409 : i32 to index
        %swap3A_412 = arith.index_cast %add3A_353 : i32 to index
        %swap3A_413 = tpu.vector_load %arg8[%swap3A_410, %swap3A_411, %swap3A_412] {strides = array<i32>} : memref<6x8x2048xf32, #tpu.memory_space<vmem>>, vector<16xf32>,
        tpu.vector_store %arg8[%swap3A_410, %swap3A_411, %swap3A_412], %get3A_380 {add = true, strides = array<i32>} : memref<6x8x2048xf32, #tpu.memory_space<vmem>>, vector<16xf32>,
        %swap3A_414 = arith.constant 4 : i32
        %swap3A_415 = arith.index_cast %select_n3A_123 : i32 to index
        %swap3A_416 = arith.index_cast %swap3A_414 : i32 to index
        %swap3A_417 = arith.index_cast %add3A_357 : i32 to index
        %swap3A_418 = tpu.vector_load %arg8[%swap3A_415, %swap3A_416, %swap3A_417] {strides = array<i32>} : memref<6x8x2048xf32, #tpu.memory_space<vmem>>, vector<16xf32>,
        tpu.vector_store %arg8[%swap3A_415, %swap3A_416, %swap3A_417], %get3A_383 {add = true, strides = array<i32>} : memref<6x8x2048xf32, #tpu.memory_space<vmem>>, vector<16xf32>,
        %swap3A_419 = arith.constant 4 : i32
        %swap3A_420 = arith.index_cast %select_n3A_123 : i32 to index
        %swap3A_421 = arith.index_cast %swap3A_419 : i32 to index
        %swap3A_422 = arith.index_cast %add3A_361 : i32 to index
        %swap3A_423 = tpu.vector_load %arg8[%swap3A_420, %swap3A_421, %swap3A_422] {strides = array<i32>} : memref<6x8x2048xf32, #tpu.memory_space<vmem>>, vector<16xf32>,
        tpu.vector_store %arg8[%swap3A_420, %swap3A_421, %swap3A_422], %get3A_386 {add = true, strides = array<i32>} : memref<6x8x2048xf32, #tpu.memory_space<vmem>>, vector<16xf32>,
        %swap3A_424 = arith.constant 4 : i32
        %swap3A_425 = arith.index_cast %select_n3A_123 : i32 to index
        %swap3A_426 = arith.index_cast %swap3A_424 : i32 to index
        %swap3A_427 = arith.index_cast %add3A_365 : i32 to index
        %swap3A_428 = tpu.vector_load %arg8[%swap3A_425, %swap3A_426, %swap3A_427] {strides = array<i32>} : memref<6x8x2048xf32, #tpu.memory_space<vmem>>, vector<16xf32>,
        tpu.vector_store %arg8[%swap3A_425, %swap3A_426, %swap3A_427], %get3A_389 {add = true, strides = array<i32>} : memref<6x8x2048xf32, #tpu.memory_space<vmem>>, vector<16xf32>,
      }
      %scan3A_245 = arith.constant 16 : i32
      %slice3A_246 = vector.extract_strided_slice %get3A_164 {offsets = [13], sizes = [1], strides = [1]} : vector<16xi32> to vector<1xi32>
      %squeeze3A_247 = vector.extract %slice3A_246[0] : i32 from vector<1xi32>
      %slice3A_248 = vector.extract_strided_slice %get3A_164 {offsets = [5], sizes = [1], strides = [1]} : vector<16xi32> to vector<1xi32>
      %squeeze3A_249 = vector.extract %slice3A_248[0] : i32 from vector<1xi32>
      %select_n3A_250 = arith.select %eq3A_182, %squeeze3A_247, %squeeze3A_249 : i32
      %mul3A_251 = arith.constant 2048 : i32
      %mul3A_252 = arith.muli %select_n3A_250, %mul3A_251 : i32
      %scan3A_253 = arith.constant 0 : i32
      %scan3A_254 = arith.constant 0 : i32
      %scan3A_255 = arith.constant 16 : i32
      %scan3A_256 = arith.addi %scan3A_254, %scan3A_255 : i32
      %scan3A_257 = arith.constant 1 : i32
      scf.for %scan3A_333 = %scan3A_254 to %scan3A_256 step %scan3A_257  : i32 {
        %mul3A_334 = arith.constant 128 : i32
        %mul3A_335 = arith.muli %scan3A_333, %mul3A_334 : i32
        %add3A_336 = arith.constant 0 : i32
        %add3A_337 = arith.addi %mul3A_335, %add3A_336 : i32
        %mul3A_338 = arith.constant 128 : i32
        %mul3A_339 = arith.muli %scan3A_333, %mul3A_338 : i32
        %add3A_340 = arith.constant 16 : i32
        %add3A_341 = arith.addi %mul3A_339, %add3A_340 : i32
        %mul3A_342 = arith.constant 128 : i32
        %mul3A_343 = arith.muli %scan3A_333, %mul3A_342 : i32
        %add3A_344 = arith.constant 32 : i32
        %add3A_345 = arith.addi %mul3A_343, %add3A_344 : i32
        %mul3A_346 = arith.constant 128 : i32
        %mul3A_347 = arith.muli %scan3A_333, %mul3A_346 : i32
        %add3A_348 = arith.constant 48 : i32
        %add3A_349 = arith.addi %mul3A_347, %add3A_348 : i32
        %mul3A_350 = arith.constant 128 : i32
        %mul3A_351 = arith.muli %scan3A_333, %mul3A_350 : i32
        %add3A_352 = arith.constant 64 : i32
        %add3A_353 = arith.addi %mul3A_351, %add3A_352 : i32
        %mul3A_354 = arith.constant 128 : i32
        %mul3A_355 = arith.muli %scan3A_333, %mul3A_354 : i32
        %add3A_356 = arith.constant 80 : i32
        %add3A_357 = arith.addi %mul3A_355, %add3A_356 : i32
        %mul3A_358 = arith.constant 128 : i32
        %mul3A_359 = arith.muli %scan3A_333, %mul3A_358 : i32
        %add3A_360 = arith.constant 96 : i32
        %add3A_361 = arith.addi %mul3A_359, %add3A_360 : i32
        %mul3A_362 = arith.constant 128 : i32
        %mul3A_363 = arith.muli %scan3A_333, %mul3A_362 : i32
        %add3A_364 = arith.constant 112 : i32
        %add3A_365 = arith.addi %mul3A_363, %add3A_364 : i32
        %add3A_366 = arith.addi %mul3A_252, %add3A_337 : i32
        %get3A_367 = arith.index_cast %add3A_366 : i32 to index
        %get3A_368 = tpu.vector_load %arg6[%get3A_367] {strides = array<i32>} : memref<22528xf32, #tpu.memory_space<vmem>>, vector<16xf32>,
        %add3A_369 = arith.addi %mul3A_252, %add3A_341 : i32
        %get3A_370 = arith.index_cast %add3A_369 : i32 to index
        %get3A_371 = tpu.vector_load %arg6[%get3A_370] {strides = array<i32>} : memref<22528xf32, #tpu.memory_space<vmem>>, vector<16xf32>,
        %add3A_372 = arith.addi %mul3A_252, %add3A_345 : i32
        %get3A_373 = arith.index_cast %add3A_372 : i32 to index
        %get3A_374 = tpu.vector_load %arg6[%get3A_373] {strides = array<i32>} : memref<22528xf32, #tpu.memory_space<vmem>>, vector<16xf32>,
        %add3A_375 = arith.addi %mul3A_252, %add3A_349 : i32
        %get3A_376 = arith.index_cast %add3A_375 : i32 to index
        %get3A_377 = tpu.vector_load %arg6[%get3A_376] {strides = array<i32>} : memref<22528xf32, #tpu.memory_space<vmem>>, vector<16xf32>,
        %add3A_378 = arith.addi %mul3A_252, %add3A_353 : i32
        %get3A_379 = arith.index_cast %add3A_378 : i32 to index
        %get3A_380 = tpu.vector_load %arg6[%get3A_379] {strides = array<i32>} : memref<22528xf32, #tpu.memory_space<vmem>>, vector<16xf32>,
        %add3A_381 = arith.addi %mul3A_252, %add3A_357 : i32
        %get3A_382 = arith.index_cast %add3A_381 : i32 to index
        %get3A_383 = tpu.vector_load %arg6[%get3A_382] {strides = array<i32>} : memref<22528xf32, #tpu.memory_space<vmem>>, vector<16xf32>,
        %add3A_384 = arith.addi %mul3A_252, %add3A_361 : i32
        %get3A_385 = arith.index_cast %add3A_384 : i32 to index
        %get3A_386 = tpu.vector_load %arg6[%get3A_385] {strides = array<i32>} : memref<22528xf32, #tpu.memory_space<vmem>>, vector<16xf32>,
        %add3A_387 = arith.addi %mul3A_252, %add3A_365 : i32
        %get3A_388 = arith.index_cast %add3A_387 : i32 to index
        %get3A_389 = tpu.vector_load %arg6[%get3A_388] {strides = array<i32>} : memref<22528xf32, #tpu.memory_space<vmem>>, vector<16xf32>,
        %swap3A = arith.constant 5 : i32
        %swap3A_390 = arith.index_cast %select_n3A_123 : i32 to index
        %swap3A_391 = arith.index_cast %swap3A : i32 to index
        %swap3A_392 = arith.index_cast %add3A_337 : i32 to index
        %swap3A_393 = tpu.vector_load %arg8[%swap3A_390, %swap3A_391, %swap3A_392] {strides = array<i32>} : memref<6x8x2048xf32, #tpu.memory_space<vmem>>, vector<16xf32>,
        tpu.vector_store %arg8[%swap3A_390, %swap3A_391, %swap3A_392], %get3A_368 {add = true, strides = array<i32>} : memref<6x8x2048xf32, #tpu.memory_space<vmem>>, vector<16xf32>,
        %swap3A_394 = arith.constant 5 : i32
        %swap3A_395 = arith.index_cast %select_n3A_123 : i32 to index
        %swap3A_396 = arith.index_cast %swap3A_394 : i32 to index
        %swap3A_397 = arith.index_cast %add3A_341 : i32 to index
        %swap3A_398 = tpu.vector_load %arg8[%swap3A_395, %swap3A_396, %swap3A_397] {strides = array<i32>} : memref<6x8x2048xf32, #tpu.memory_space<vmem>>, vector<16xf32>,
        tpu.vector_store %arg8[%swap3A_395, %swap3A_396, %swap3A_397], %get3A_371 {add = true, strides = array<i32>} : memref<6x8x2048xf32, #tpu.memory_space<vmem>>, vector<16xf32>,
        %swap3A_399 = arith.constant 5 : i32
        %swap3A_400 = arith.index_cast %select_n3A_123 : i32 to index
        %swap3A_401 = arith.index_cast %swap3A_399 : i32 to index
        %swap3A_402 = arith.index_cast %add3A_345 : i32 to index
        %swap3A_403 = tpu.vector_load %arg8[%swap3A_400, %swap3A_401, %swap3A_402] {strides = array<i32>} : memref<6x8x2048xf32, #tpu.memory_space<vmem>>, vector<16xf32>,
        tpu.vector_store %arg8[%swap3A_400, %swap3A_401, %swap3A_402], %get3A_374 {add = true, strides = array<i32>} : memref<6x8x2048xf32, #tpu.memory_space<vmem>>, vector<16xf32>,
        %swap3A_404 = arith.constant 5 : i32
        %swap3A_405 = arith.index_cast %select_n3A_123 : i32 to index
        %swap3A_406 = arith.index_cast %swap3A_404 : i32 to index
        %swap3A_407 = arith.index_cast %add3A_349 : i32 to index
        %swap3A_408 = tpu.vector_load %arg8[%swap3A_405, %swap3A_406, %swap3A_407] {strides = array<i32>} : memref<6x8x2048xf32, #tpu.memory_space<vmem>>, vector<16xf32>,
        tpu.vector_store %arg8[%swap3A_405, %swap3A_406, %swap3A_407], %get3A_377 {add = true, strides = array<i32>} : memref<6x8x2048xf32, #tpu.memory_space<vmem>>, vector<16xf32>,
        %swap3A_409 = arith.constant 5 : i32
        %swap3A_410 = arith.index_cast %select_n3A_123 : i32 to index
        %swap3A_411 = arith.index_cast %swap3A_409 : i32 to index
        %swap3A_412 = arith.index_cast %add3A_353 : i32 to index
        %swap3A_413 = tpu.vector_load %arg8[%swap3A_410, %swap3A_411, %swap3A_412] {strides = array<i32>} : memref<6x8x2048xf32, #tpu.memory_space<vmem>>, vector<16xf32>,
        tpu.vector_store %arg8[%swap3A_410, %swap3A_411, %swap3A_412], %get3A_380 {add = true, strides = array<i32>} : memref<6x8x2048xf32, #tpu.memory_space<vmem>>, vector<16xf32>,
        %swap3A_414 = arith.constant 5 : i32
        %swap3A_415 = arith.index_cast %select_n3A_123 : i32 to index
        %swap3A_416 = arith.index_cast %swap3A_414 : i32 to index
        %swap3A_417 = arith.index_cast %add3A_357 : i32 to index
        %swap3A_418 = tpu.vector_load %arg8[%swap3A_415, %swap3A_416, %swap3A_417] {strides = array<i32>} : memref<6x8x2048xf32, #tpu.memory_space<vmem>>, vector<16xf32>,
        tpu.vector_store %arg8[%swap3A_415, %swap3A_416, %swap3A_417], %get3A_383 {add = true, strides = array<i32>} : memref<6x8x2048xf32, #tpu.memory_space<vmem>>, vector<16xf32>,
        %swap3A_419 = arith.constant 5 : i32
        %swap3A_420 = arith.index_cast %select_n3A_123 : i32 to index
        %swap3A_421 = arith.index_cast %swap3A_419 : i32 to index
        %swap3A_422 = arith.index_cast %add3A_361 : i32 to index
        %swap3A_423 = tpu.vector_load %arg8[%swap3A_420, %swap3A_421, %swap3A_422] {strides = array<i32>} : memref<6x8x2048xf32, #tpu.memory_space<vmem>>, vector<16xf32>,
        tpu.vector_store %arg8[%swap3A_420, %swap3A_421, %swap3A_422], %get3A_386 {add = true, strides = array<i32>} : memref<6x8x2048xf32, #tpu.memory_space<vmem>>, vector<16xf32>,
        %swap3A_424 = arith.constant 5 : i32
        %swap3A_425 = arith.index_cast %select_n3A_123 : i32 to index
        %swap3A_426 = arith.index_cast %swap3A_424 : i32 to index
        %swap3A_427 = arith.index_cast %add3A_365 : i32 to index
        %swap3A_428 = tpu.vector_load %arg8[%swap3A_425, %swap3A_426, %swap3A_427] {strides = array<i32>} : memref<6x8x2048xf32, #tpu.memory_space<vmem>>, vector<16xf32>,
        tpu.vector_store %arg8[%swap3A_425, %swap3A_426, %swap3A_427], %get3A_389 {add = true, strides = array<i32>} : memref<6x8x2048xf32, #tpu.memory_space<vmem>>, vector<16xf32>,
      }
      %scan3A_258 = arith.constant 16 : i32
      %slice3A_259 = vector.extract_strided_slice %get3A_164 {offsets = [14], sizes = [1], strides = [1]} : vector<16xi32> to vector<1xi32>
      %squeeze3A_260 = vector.extract %slice3A_259[0] : i32 from vector<1xi32>
      %slice3A_261 = vector.extract_strided_slice %get3A_164 {offsets = [6], sizes = [1], strides = [1]} : vector<16xi32> to vector<1xi32>
      %squeeze3A_262 = vector.extract %slice3A_261[0] : i32 from vector<1xi32>
      %select_n3A_263 = arith.select %eq3A_182, %squeeze3A_260, %squeeze3A_262 : i32
      %mul3A_264 = arith.constant 2048 : i32
      %mul3A_265 = arith.muli %select_n3A_263, %mul3A_264 : i32
      %scan3A_266 = arith.constant 0 : i32
      %scan3A_267 = arith.constant 0 : i32
      %scan3A_268 = arith.constant 16 : i32
      %scan3A_269 = arith.addi %scan3A_267, %scan3A_268 : i32
      %scan3A_270 = arith.constant 1 : i32
      scf.for %scan3A_333 = %scan3A_267 to %scan3A_269 step %scan3A_270  : i32 {
        %mul3A_334 = arith.constant 128 : i32
        %mul3A_335 = arith.muli %scan3A_333, %mul3A_334 : i32
        %add3A_336 = arith.constant 0 : i32
        %add3A_337 = arith.addi %mul3A_335, %add3A_336 : i32
        %mul3A_338 = arith.constant 128 : i32
        %mul3A_339 = arith.muli %scan3A_333, %mul3A_338 : i32
        %add3A_340 = arith.constant 16 : i32
        %add3A_341 = arith.addi %mul3A_339, %add3A_340 : i32
        %mul3A_342 = arith.constant 128 : i32
        %mul3A_343 = arith.muli %scan3A_333, %mul3A_342 : i32
        %add3A_344 = arith.constant 32 : i32
        %add3A_345 = arith.addi %mul3A_343, %add3A_344 : i32
        %mul3A_346 = arith.constant 128 : i32
        %mul3A_347 = arith.muli %scan3A_333, %mul3A_346 : i32
        %add3A_348 = arith.constant 48 : i32
        %add3A_349 = arith.addi %mul3A_347, %add3A_348 : i32
        %mul3A_350 = arith.constant 128 : i32
        %mul3A_351 = arith.muli %scan3A_333, %mul3A_350 : i32
        %add3A_352 = arith.constant 64 : i32
        %add3A_353 = arith.addi %mul3A_351, %add3A_352 : i32
        %mul3A_354 = arith.constant 128 : i32
        %mul3A_355 = arith.muli %scan3A_333, %mul3A_354 : i32
        %add3A_356 = arith.constant 80 : i32
        %add3A_357 = arith.addi %mul3A_355, %add3A_356 : i32
        %mul3A_358 = arith.constant 128 : i32
        %mul3A_359 = arith.muli %scan3A_333, %mul3A_358 : i32
        %add3A_360 = arith.constant 96 : i32
        %add3A_361 = arith.addi %mul3A_359, %add3A_360 : i32
        %mul3A_362 = arith.constant 128 : i32
        %mul3A_363 = arith.muli %scan3A_333, %mul3A_362 : i32
        %add3A_364 = arith.constant 112 : i32
        %add3A_365 = arith.addi %mul3A_363, %add3A_364 : i32
        %add3A_366 = arith.addi %mul3A_265, %add3A_337 : i32
        %get3A_367 = arith.index_cast %add3A_366 : i32 to index
        %get3A_368 = tpu.vector_load %arg6[%get3A_367] {strides = array<i32>} : memref<22528xf32, #tpu.memory_space<vmem>>, vector<16xf32>,
        %add3A_369 = arith.addi %mul3A_265, %add3A_341 : i32
        %get3A_370 = arith.index_cast %add3A_369 : i32 to index
        %get3A_371 = tpu.vector_load %arg6[%get3A_370] {strides = array<i32>} : memref<22528xf32, #tpu.memory_space<vmem>>, vector<16xf32>,
        %add3A_372 = arith.addi %mul3A_265, %add3A_345 : i32
        %get3A_373 = arith.index_cast %add3A_372 : i32 to index
        %get3A_374 = tpu.vector_load %arg6[%get3A_373] {strides = array<i32>} : memref<22528xf32, #tpu.memory_space<vmem>>, vector<16xf32>,
        %add3A_375 = arith.addi %mul3A_265, %add3A_349 : i32
        %get3A_376 = arith.index_cast %add3A_375 : i32 to index
        %get3A_377 = tpu.vector_load %arg6[%get3A_376] {strides = array<i32>} : memref<22528xf32, #tpu.memory_space<vmem>>, vector<16xf32>,
        %add3A_378 = arith.addi %mul3A_265, %add3A_353 : i32
        %get3A_379 = arith.index_cast %add3A_378 : i32 to index
        %get3A_380 = tpu.vector_load %arg6[%get3A_379] {strides = array<i32>} : memref<22528xf32, #tpu.memory_space<vmem>>, vector<16xf32>,
        %add3A_381 = arith.addi %mul3A_265, %add3A_357 : i32
        %get3A_382 = arith.index_cast %add3A_381 : i32 to index
        %get3A_383 = tpu.vector_load %arg6[%get3A_382] {strides = array<i32>} : memref<22528xf32, #tpu.memory_space<vmem>>, vector<16xf32>,
        %add3A_384 = arith.addi %mul3A_265, %add3A_361 : i32
        %get3A_385 = arith.index_cast %add3A_384 : i32 to index
        %get3A_386 = tpu.vector_load %arg6[%get3A_385] {strides = array<i32>} : memref<22528xf32, #tpu.memory_space<vmem>>, vector<16xf32>,
        %add3A_387 = arith.addi %mul3A_265, %add3A_365 : i32
        %get3A_388 = arith.index_cast %add3A_387 : i32 to index
        %get3A_389 = tpu.vector_load %arg6[%get3A_388] {strides = array<i32>} : memref<22528xf32, #tpu.memory_space<vmem>>, vector<16xf32>,
        %swap3A = arith.constant 6 : i32
        %swap3A_390 = arith.index_cast %select_n3A_123 : i32 to index
        %swap3A_391 = arith.index_cast %swap3A : i32 to index
        %swap3A_392 = arith.index_cast %add3A_337 : i32 to index
        %swap3A_393 = tpu.vector_load %arg8[%swap3A_390, %swap3A_391, %swap3A_392] {strides = array<i32>} : memref<6x8x2048xf32, #tpu.memory_space<vmem>>, vector<16xf32>,
        tpu.vector_store %arg8[%swap3A_390, %swap3A_391, %swap3A_392], %get3A_368 {add = true, strides = array<i32>} : memref<6x8x2048xf32, #tpu.memory_space<vmem>>, vector<16xf32>,
        %swap3A_394 = arith.constant 6 : i32
        %swap3A_395 = arith.index_cast %select_n3A_123 : i32 to index
        %swap3A_396 = arith.index_cast %swap3A_394 : i32 to index
        %swap3A_397 = arith.index_cast %add3A_341 : i32 to index
        %swap3A_398 = tpu.vector_load %arg8[%swap3A_395, %swap3A_396, %swap3A_397] {strides = array<i32>} : memref<6x8x2048xf32, #tpu.memory_space<vmem>>, vector<16xf32>,
        tpu.vector_store %arg8[%swap3A_395, %swap3A_396, %swap3A_397], %get3A_371 {add = true, strides = array<i32>} : memref<6x8x2048xf32, #tpu.memory_space<vmem>>, vector<16xf32>,
        %swap3A_399 = arith.constant 6 : i32
        %swap3A_400 = arith.index_cast %select_n3A_123 : i32 to index
        %swap3A_401 = arith.index_cast %swap3A_399 : i32 to index
        %swap3A_402 = arith.index_cast %add3A_345 : i32 to index
        %swap3A_403 = tpu.vector_load %arg8[%swap3A_400, %swap3A_401, %swap3A_402] {strides = array<i32>} : memref<6x8x2048xf32, #tpu.memory_space<vmem>>, vector<16xf32>,
        tpu.vector_store %arg8[%swap3A_400, %swap3A_401, %swap3A_402], %get3A_374 {add = true, strides = array<i32>} : memref<6x8x2048xf32, #tpu.memory_space<vmem>>, vector<16xf32>,
        %swap3A_404 = arith.constant 6 : i32
        %swap3A_405 = arith.index_cast %select_n3A_123 : i32 to index
        %swap3A_406 = arith.index_cast %swap3A_404 : i32 to index
        %swap3A_407 = arith.index_cast %add3A_349 : i32 to index
        %swap3A_408 = tpu.vector_load %arg8[%swap3A_405, %swap3A_406, %swap3A_407] {strides = array<i32>} : memref<6x8x2048xf32, #tpu.memory_space<vmem>>, vector<16xf32>,
        tpu.vector_store %arg8[%swap3A_405, %swap3A_406, %swap3A_407], %get3A_377 {add = true, strides = array<i32>} : memref<6x8x2048xf32, #tpu.memory_space<vmem>>, vector<16xf32>,
        %swap3A_409 = arith.constant 6 : i32
        %swap3A_410 = arith.index_cast %select_n3A_123 : i32 to index
        %swap3A_411 = arith.index_cast %swap3A_409 : i32 to index
        %swap3A_412 = arith.index_cast %add3A_353 : i32 to index
        %swap3A_413 = tpu.vector_load %arg8[%swap3A_410, %swap3A_411, %swap3A_412] {strides = array<i32>} : memref<6x8x2048xf32, #tpu.memory_space<vmem>>, vector<16xf32>,
        tpu.vector_store %arg8[%swap3A_410, %swap3A_411, %swap3A_412], %get3A_380 {add = true, strides = array<i32>} : memref<6x8x2048xf32, #tpu.memory_space<vmem>>, vector<16xf32>,
        %swap3A_414 = arith.constant 6 : i32
        %swap3A_415 = arith.index_cast %select_n3A_123 : i32 to index
        %swap3A_416 = arith.index_cast %swap3A_414 : i32 to index
        %swap3A_417 = arith.index_cast %add3A_357 : i32 to index
        %swap3A_418 = tpu.vector_load %arg8[%swap3A_415, %swap3A_416, %swap3A_417] {strides = array<i32>} : memref<6x8x2048xf32, #tpu.memory_space<vmem>>, vector<16xf32>,
        tpu.vector_store %arg8[%swap3A_415, %swap3A_416, %swap3A_417], %get3A_383 {add = true, strides = array<i32>} : memref<6x8x2048xf32, #tpu.memory_space<vmem>>, vector<16xf32>,
        %swap3A_419 = arith.constant 6 : i32
        %swap3A_420 = arith.index_cast %select_n3A_123 : i32 to index
        %swap3A_421 = arith.index_cast %swap3A_419 : i32 to index
        %swap3A_422 = arith.index_cast %add3A_361 : i32 to index
        %swap3A_423 = tpu.vector_load %arg8[%swap3A_420, %swap3A_421, %swap3A_422] {strides = array<i32>} : memref<6x8x2048xf32, #tpu.memory_space<vmem>>, vector<16xf32>,
        tpu.vector_store %arg8[%swap3A_420, %swap3A_421, %swap3A_422], %get3A_386 {add = true, strides = array<i32>} : memref<6x8x2048xf32, #tpu.memory_space<vmem>>, vector<16xf32>,
        %swap3A_424 = arith.constant 6 : i32
        %swap3A_425 = arith.index_cast %select_n3A_123 : i32 to index
        %swap3A_426 = arith.index_cast %swap3A_424 : i32 to index
        %swap3A_427 = arith.index_cast %add3A_365 : i32 to index
        %swap3A_428 = tpu.vector_load %arg8[%swap3A_425, %swap3A_426, %swap3A_427] {strides = array<i32>} : memref<6x8x2048xf32, #tpu.memory_space<vmem>>, vector<16xf32>,
        tpu.vector_store %arg8[%swap3A_425, %swap3A_426, %swap3A_427], %get3A_389 {add = true, strides = array<i32>} : memref<6x8x2048xf32, #tpu.memory_space<vmem>>, vector<16xf32>,
      }
      %scan3A_271 = arith.constant 16 : i32
      %slice3A_272 = vector.extract_strided_slice %get3A_164 {offsets = [15], sizes = [1], strides = [1]} : vector<16xi32> to vector<1xi32>
      %squeeze3A_273 = vector.extract %slice3A_272[0] : i32 from vector<1xi32>
      %slice3A_274 = vector.extract_strided_slice %get3A_164 {offsets = [7], sizes = [1], strides = [1]} : vector<16xi32> to vector<1xi32>
      %squeeze3A_275 = vector.extract %slice3A_274[0] : i32 from vector<1xi32>
      %select_n3A_276 = arith.select %eq3A_182, %squeeze3A_273, %squeeze3A_275 : i32
      %mul3A_277 = arith.constant 2048 : i32
      %mul3A_278 = arith.muli %select_n3A_276, %mul3A_277 : i32
      %scan3A_279 = arith.constant 0 : i32
      %scan3A_280 = arith.constant 0 : i32
      %scan3A_281 = arith.constant 16 : i32
      %scan3A_282 = arith.addi %scan3A_280, %scan3A_281 : i32
      %scan3A_283 = arith.constant 1 : i32
      scf.for %scan3A_333 = %scan3A_280 to %scan3A_282 step %scan3A_283  : i32 {
        %mul3A_334 = arith.constant 128 : i32
        %mul3A_335 = arith.muli %scan3A_333, %mul3A_334 : i32
        %add3A_336 = arith.constant 0 : i32
        %add3A_337 = arith.addi %mul3A_335, %add3A_336 : i32
        %mul3A_338 = arith.constant 128 : i32
        %mul3A_339 = arith.muli %scan3A_333, %mul3A_338 : i32
        %add3A_340 = arith.constant 16 : i32
        %add3A_341 = arith.addi %mul3A_339, %add3A_340 : i32
        %mul3A_342 = arith.constant 128 : i32
        %mul3A_343 = arith.muli %scan3A_333, %mul3A_342 : i32
        %add3A_344 = arith.constant 32 : i32
        %add3A_345 = arith.addi %mul3A_343, %add3A_344 : i32
        %mul3A_346 = arith.constant 128 : i32
        %mul3A_347 = arith.muli %scan3A_333, %mul3A_346 : i32
        %add3A_348 = arith.constant 48 : i32
        %add3A_349 = arith.addi %mul3A_347, %add3A_348 : i32
        %mul3A_350 = arith.constant 128 : i32
        %mul3A_351 = arith.muli %scan3A_333, %mul3A_350 : i32
        %add3A_352 = arith.constant 64 : i32
        %add3A_353 = arith.addi %mul3A_351, %add3A_352 : i32
        %mul3A_354 = arith.constant 128 : i32
        %mul3A_355 = arith.muli %scan3A_333, %mul3A_354 : i32
        %add3A_356 = arith.constant 80 : i32
        %add3A_357 = arith.addi %mul3A_355, %add3A_356 : i32
        %mul3A_358 = arith.constant 128 : i32
        %mul3A_359 = arith.muli %scan3A_333, %mul3A_358 : i32
        %add3A_360 = arith.constant 96 : i32
        %add3A_361 = arith.addi %mul3A_359, %add3A_360 : i32
        %mul3A_362 = arith.constant 128 : i32
        %mul3A_363 = arith.muli %scan3A_333, %mul3A_362 : i32
        %add3A_364 = arith.constant 112 : i32
        %add3A_365 = arith.addi %mul3A_363, %add3A_364 : i32
        %add3A_366 = arith.addi %mul3A_278, %add3A_337 : i32
        %get3A_367 = arith.index_cast %add3A_366 : i32 to index
        %get3A_368 = tpu.vector_load %arg6[%get3A_367] {strides = array<i32>} : memref<22528xf32, #tpu.memory_space<vmem>>, vector<16xf32>,
        %add3A_369 = arith.addi %mul3A_278, %add3A_341 : i32
        %get3A_370 = arith.index_cast %add3A_369 : i32 to index
        %get3A_371 = tpu.vector_load %arg6[%get3A_370] {strides = array<i32>} : memref<22528xf32, #tpu.memory_space<vmem>>, vector<16xf32>,
        %add3A_372 = arith.addi %mul3A_278, %add3A_345 : i32
        %get3A_373 = arith.index_cast %add3A_372 : i32 to index
        %get3A_374 = tpu.vector_load %arg6[%get3A_373] {strides = array<i32>} : memref<22528xf32, #tpu.memory_space<vmem>>, vector<16xf32>,
        %add3A_375 = arith.addi %mul3A_278, %add3A_349 : i32
        %get3A_376 = arith.index_cast %add3A_375 : i32 to index
        %get3A_377 = tpu.vector_load %arg6[%get3A_376] {strides = array<i32>} : memref<22528xf32, #tpu.memory_space<vmem>>, vector<16xf32>,
        %add3A_378 = arith.addi %mul3A_278, %add3A_353 : i32
        %get3A_379 = arith.index_cast %add3A_378 : i32 to index
        %get3A_380 = tpu.vector_load %arg6[%get3A_379] {strides = array<i32>} : memref<22528xf32, #tpu.memory_space<vmem>>, vector<16xf32>,
        %add3A_381 = arith.addi %mul3A_278, %add3A_357 : i32
        %get3A_382 = arith.index_cast %add3A_381 : i32 to index
        %get3A_383 = tpu.vector_load %arg6[%get3A_382] {strides = array<i32>} : memref<22528xf32, #tpu.memory_space<vmem>>, vector<16xf32>,
        %add3A_384 = arith.addi %mul3A_278, %add3A_361 : i32
        %get3A_385 = arith.index_cast %add3A_384 : i32 to index
        %get3A_386 = tpu.vector_load %arg6[%get3A_385] {strides = array<i32>} : memref<22528xf32, #tpu.memory_space<vmem>>, vector<16xf32>,
        %add3A_387 = arith.addi %mul3A_278, %add3A_365 : i32
        %get3A_388 = arith.index_cast %add3A_387 : i32 to index
        %get3A_389 = tpu.vector_load %arg6[%get3A_388] {strides = array<i32>} : memref<22528xf32, #tpu.memory_space<vmem>>, vector<16xf32>,
        %swap3A = arith.constant 7 : i32
        %swap3A_390 = arith.index_cast %select_n3A_123 : i32 to index
        %swap3A_391 = arith.index_cast %swap3A : i32 to index
        %swap3A_392 = arith.index_cast %add3A_337 : i32 to index
        %swap3A_393 = tpu.vector_load %arg8[%swap3A_390, %swap3A_391, %swap3A_392] {strides = array<i32>} : memref<6x8x2048xf32, #tpu.memory_space<vmem>>, vector<16xf32>,
        tpu.vector_store %arg8[%swap3A_390, %swap3A_391, %swap3A_392], %get3A_368 {add = true, strides = array<i32>} : memref<6x8x2048xf32, #tpu.memory_space<vmem>>, vector<16xf32>,
        %swap3A_394 = arith.constant 7 : i32
        %swap3A_395 = arith.index_cast %select_n3A_123 : i32 to index
        %swap3A_396 = arith.index_cast %swap3A_394 : i32 to index
        %swap3A_397 = arith.index_cast %add3A_341 : i32 to index
        %swap3A_398 = tpu.vector_load %arg8[%swap3A_395, %swap3A_396, %swap3A_397] {strides = array<i32>} : memref<6x8x2048xf32, #tpu.memory_space<vmem>>, vector<16xf32>,
        tpu.vector_store %arg8[%swap3A_395, %swap3A_396, %swap3A_397], %get3A_371 {add = true, strides = array<i32>} : memref<6x8x2048xf32, #tpu.memory_space<vmem>>, vector<16xf32>,
        %swap3A_399 = arith.constant 7 : i32
        %swap3A_400 = arith.index_cast %select_n3A_123 : i32 to index
        %swap3A_401 = arith.index_cast %swap3A_399 : i32 to index
        %swap3A_402 = arith.index_cast %add3A_345 : i32 to index
        %swap3A_403 = tpu.vector_load %arg8[%swap3A_400, %swap3A_401, %swap3A_402] {strides = array<i32>} : memref<6x8x2048xf32, #tpu.memory_space<vmem>>, vector<16xf32>,
        tpu.vector_store %arg8[%swap3A_400, %swap3A_401, %swap3A_402], %get3A_374 {add = true, strides = array<i32>} : memref<6x8x2048xf32, #tpu.memory_space<vmem>>, vector<16xf32>,
        %swap3A_404 = arith.constant 7 : i32
        %swap3A_405 = arith.index_cast %select_n3A_123 : i32 to index
        %swap3A_406 = arith.index_cast %swap3A_404 : i32 to index
        %swap3A_407 = arith.index_cast %add3A_349 : i32 to index
        %swap3A_408 = tpu.vector_load %arg8[%swap3A_405, %swap3A_406, %swap3A_407] {strides = array<i32>} : memref<6x8x2048xf32, #tpu.memory_space<vmem>>, vector<16xf32>,
        tpu.vector_store %arg8[%swap3A_405, %swap3A_406, %swap3A_407], %get3A_377 {add = true, strides = array<i32>} : memref<6x8x2048xf32, #tpu.memory_space<vmem>>, vector<16xf32>,
        %swap3A_409 = arith.constant 7 : i32
        %swap3A_410 = arith.index_cast %select_n3A_123 : i32 to index
        %swap3A_411 = arith.index_cast %swap3A_409 : i32 to index
        %swap3A_412 = arith.index_cast %add3A_353 : i32 to index
        %swap3A_413 = tpu.vector_load %arg8[%swap3A_410, %swap3A_411, %swap3A_412] {strides = array<i32>} : memref<6x8x2048xf32, #tpu.memory_space<vmem>>, vector<16xf32>,
        tpu.vector_store %arg8[%swap3A_410, %swap3A_411, %swap3A_412], %get3A_380 {add = true, strides = array<i32>} : memref<6x8x2048xf32, #tpu.memory_space<vmem>>, vector<16xf32>,
        %swap3A_414 = arith.constant 7 : i32
        %swap3A_415 = arith.index_cast %select_n3A_123 : i32 to index
        %swap3A_416 = arith.index_cast %swap3A_414 : i32 to index
        %swap3A_417 = arith.index_cast %add3A_357 : i32 to index
        %swap3A_418 = tpu.vector_load %arg8[%swap3A_415, %swap3A_416, %swap3A_417] {strides = array<i32>} : memref<6x8x2048xf32, #tpu.memory_space<vmem>>, vector<16xf32>,
        tpu.vector_store %arg8[%swap3A_415, %swap3A_416, %swap3A_417], %get3A_383 {add = true, strides = array<i32>} : memref<6x8x2048xf32, #tpu.memory_space<vmem>>, vector<16xf32>,
        %swap3A_419 = arith.constant 7 : i32
        %swap3A_420 = arith.index_cast %select_n3A_123 : i32 to index
        %swap3A_421 = arith.index_cast %swap3A_419 : i32 to index
        %swap3A_422 = arith.index_cast %add3A_361 : i32 to index
        %swap3A_423 = tpu.vector_load %arg8[%swap3A_420, %swap3A_421, %swap3A_422] {strides = array<i32>} : memref<6x8x2048xf32, #tpu.memory_space<vmem>>, vector<16xf32>,
        tpu.vector_store %arg8[%swap3A_420, %swap3A_421, %swap3A_422], %get3A_386 {add = true, strides = array<i32>} : memref<6x8x2048xf32, #tpu.memory_space<vmem>>, vector<16xf32>,
        %swap3A_424 = arith.constant 7 : i32
        %swap3A_425 = arith.index_cast %select_n3A_123 : i32 to index
        %swap3A_426 = arith.index_cast %swap3A_424 : i32 to index
        %swap3A_427 = arith.index_cast %add3A_365 : i32 to index
        %swap3A_428 = tpu.vector_load %arg8[%swap3A_425, %swap3A_426, %swap3A_427] {strides = array<i32>} : memref<6x8x2048xf32, #tpu.memory_space<vmem>>, vector<16xf32>,
        tpu.vector_store %arg8[%swap3A_425, %swap3A_426, %swap3A_427], %get3A_389 {add = true, strides = array<i32>} : memref<6x8x2048xf32, #tpu.memory_space<vmem>>, vector<16xf32>,
      }
      %scan3A_284 = arith.constant 16 : i32
      %mul3A_285 = arith.constant 8 : i32
      %mul3A_286 = arith.muli %scan3A_114, %mul3A_285 : i32
      %add3A_287 = arith.addi %mul3A_2, %mul3A_286 : i32
      %dma_start3A_288 = arith.constant 0 : i32
      %dma_start3A_289 = arith.constant 0 : i32
      %dma_start3A_290 = tpu.memref_slice %arg8[%select_n3A_123, %dma_start3A_288, %dma_start3A_289] : memref<6x8x2048xf32, #tpu.memory_space<vmem>> -> memref<1x8x2048xf32, #tpu.memory_space<vmem>>
      %dma_start3A_291 = tpu.memref_squeeze %dma_start3A_290 : memref<1x8x2048xf32, #tpu.memory_space<vmem>> -> memref<8x2048xf32, #tpu.memory_space<vmem>>
      %dma_start3A_292 = arith.constant 0 : i32
      %dma_start3A_293 = tpu.memref_slice %arg5[%add3A_287, %dma_start3A_292] : memref<16384x2048xf32, #tpu.memory_space<hbm>> -> memref<8x2048xf32, #tpu.memory_space<hbm>>
      %dma_start3A_294 = tpu.memref_slice %arg10[%select_n3A_123] : memref<6x!tpu.dma_semaphore, #tpu.memory_space<semaphore_mem>> -> memref<1x!tpu.dma_semaphore, #tpu.memory_space<semaphore_mem>>
      %dma_start3A_295 = tpu.memref_squeeze %dma_start3A_294 : memref<1x!tpu.dma_semaphore, #tpu.memory_space<semaphore_mem>> -> memref<!tpu.dma_semaphore, #tpu.memory_space<semaphore_mem>>
      %dma_start3A_296 = arith.constant 0 : i32
      %dma_start3A_297 = tpu.memref_slice %arg5[%add3A_287, %dma_start3A_296] : memref<16384x2048xf32, #tpu.memory_space<hbm>> -> memref<8x2048xf32, #tpu.memory_space<hbm>>
      %dma_start3A_298 = arith.constant 0 : i32
      %dma_start3A_299 = arith.constant 0 : i32
      %dma_start3A_300 = tpu.memref_slice %arg8[%select_n3A_123, %dma_start3A_298, %dma_start3A_299] : memref<6x8x2048xf32, #tpu.memory_space<vmem>> -> memref<1x8x2048xf32, #tpu.memory_space<vmem>>
      %dma_start3A_301 = tpu.memref_squeeze %dma_start3A_300 : memref<1x8x2048xf32, #tpu.memory_space<vmem>> -> memref<8x2048xf32, #tpu.memory_space<vmem>>
      tpu.enqueue_dma source(%dma_start3A_301 : memref<8x2048xf32, #tpu.memory_space<vmem>>) target(%dma_start3A_297 : memref<8x2048xf32, #tpu.memory_space<hbm>>) target_semaphore(%dma_start3A_295 : memref<!tpu.dma_semaphore, #tpu.memory_space<semaphore_mem>>)
      %add3A_302 = arith.constant 6 : i32
      %add3A_303 = arith.addi %scan3A_114, %add3A_302 : i32
      %sub3A_304 = arith.constant 1 : i32
      %sub3A_305 = arith.subi %add3A_303, %sub3A_304 : i32
      %jit3A_306 = arith.constant 6 : i32
      %eq3A_307 = arith.constant 0 : i32
      %eq3A_308 = arith.cmpi eq, %jit3A_306, %eq3A_307 : i32
      %jit3A_309 = arith.constant 1 : i32
      %select_n3A_310 = arith.select %eq3A_308, %jit3A_309, %jit3A_306 : i32
      %rem3A_311 = arith.remsi %sub3A_305, %select_n3A_310 : i32
      %ne3A_312 = arith.constant 0 : i32
      %ne3A_313 = arith.cmpi ne, %rem3A_311, %ne3A_312 : i32
      %lt3A_314 = arith.constant 0 : i32
      %lt3A_315 = arith.cmpi slt, %rem3A_311, %lt3A_314 : i32
      %lt3A_316 = arith.constant 0 : i32
      %lt3A_317 = arith.cmpi slt, %select_n3A_310, %lt3A_316 : i32
      %ne3A_318 = arith.xori %lt3A_315, %lt3A_317 : i1
      %and3A_319 = arith.andi %ne3A_318, %ne3A_313 : i1
      %add3A_320 = arith.addi %rem3A_311, %select_n3A_310 : i32
      %select_n3A_321 = arith.select %and3A_319, %add3A_320, %rem3A_311 : i32
      %ge3A = arith.constant 1 : i32
      %ge3A_322 = arith.cmpi sge, %scan3A_114, %ge3A : i32
      %convert_element_type3A = arith.extui %ge3A_322 : i1 to i32
      %cond3A = arith.constant 0 : i32
      %cond3A_323 = arith.cmpi ne, %convert_element_type3A, %cond3A : i32
      scf.if %cond3A_323 {
        %sub3A_333 = arith.constant 1 : i32
        %sub3A_334 = arith.subi %scan3A_114, %sub3A_333 : i32
        %mul3A_335 = arith.constant 8 : i32
        %mul3A_336 = arith.muli %sub3A_334, %mul3A_335 : i32
        %add3A_337 = arith.addi %mul3A_2, %mul3A_336 : i32
        %dma_wait3A_338 = arith.constant 0 : i32
        %dma_wait3A_339 = arith.constant 0 : i32
        %dma_wait3A_340 = tpu.memref_slice %arg8[%select_n3A_321, %dma_wait3A_338, %dma_wait3A_339] : memref<6x8x2048xf32, #tpu.memory_space<vmem>> -> memref<1x8x2048xf32, #tpu.memory_space<vmem>>
        %dma_wait3A_341 = tpu.memref_squeeze %dma_wait3A_340 : memref<1x8x2048xf32, #tpu.memory_space<vmem>> -> memref<8x2048xf32, #tpu.memory_space<vmem>>
        %dma_wait3A_342 = arith.constant 0 : i32
        %dma_wait3A_343 = tpu.memref_slice %arg5[%add3A_337, %dma_wait3A_342] : memref<16384x2048xf32, #tpu.memory_space<hbm>> -> memref<8x2048xf32, #tpu.memory_space<hbm>>
        %dma_wait3A_344 = tpu.memref_slice %arg10[%select_n3A_321] : memref<6x!tpu.dma_semaphore, #tpu.memory_space<semaphore_mem>> -> memref<1x!tpu.dma_semaphore, #tpu.memory_space<semaphore_mem>>
        %dma_wait3A_345 = tpu.memref_squeeze %dma_wait3A_344 : memref<1x!tpu.dma_semaphore, #tpu.memory_space<semaphore_mem>> -> memref<!tpu.dma_semaphore, #tpu.memory_space<semaphore_mem>>
        %dma_wait3A_346 = arith.constant 0 : i32
        %dma_wait3A_347 = tpu.memref_slice %arg5[%add3A_337, %dma_wait3A_346] : memref<16384x2048xf32, #tpu.memory_space<hbm>> -> memref<8x2048xf32, #tpu.memory_space<hbm>>
        %dma_wait3A_348 = arith.constant 0 : i32
        %dma_wait3A_349 = arith.constant 0 : i32
        %dma_wait3A_350 = tpu.memref_slice %arg8[%select_n3A_321, %dma_wait3A_348, %dma_wait3A_349] : memref<6x8x2048xf32, #tpu.memory_space<vmem>> -> memref<1x8x2048xf32, #tpu.memory_space<vmem>>
        %dma_wait3A_351 = tpu.memref_squeeze %dma_wait3A_350 : memref<1x8x2048xf32, #tpu.memory_space<vmem>> -> memref<8x2048xf32, #tpu.memory_space<vmem>>
        tpu.wait_dma2 semaphore(%dma_wait3A_345 : memref<!tpu.dma_semaphore, #tpu.memory_space<semaphore_mem>>) src(%dma_wait3A_351 : memref<8x2048xf32, #tpu.memory_space<vmem>>) dst(%dma_wait3A_347 : memref<8x2048xf32, #tpu.memory_space<hbm>>)
      } else {
      }
      %add3A_324 = arith.constant 6 : i32
      %add3A_325 = arith.addi %scan3A_114, %add3A_324 : i32
      %sub3A_326 = arith.constant 1 : i32
      %sub3A_327 = arith.subi %add3A_325, %sub3A_326 : i32
      %lt3A_328 = arith.constant 64 : i32
      %lt3A_329 = arith.cmpi slt, %sub3A_327, %lt3A_328 : i32
      %convert_element_type3A_330 = arith.extui %lt3A_329 : i1 to i32
      %cond3A_331 = arith.constant 0 : i32
      %cond3A_332 = arith.cmpi ne, %convert_element_type3A_330, %cond3A_331 : i32
      scf.if %cond3A_332 {
        %add3A_333 = arith.constant 6 : i32
        %add3A_334 = arith.addi %scan3A_114, %add3A_333 : i32
        %sub3A_335 = arith.constant 1 : i32
        %sub3A_336 = arith.subi %add3A_334, %sub3A_335 : i32
        %mul3A_337 = arith.constant 8 : i32
        %mul3A_338 = arith.muli %sub3A_336, %mul3A_337 : i32
        %add3A_339 = arith.addi %mul3A_2, %mul3A_338 : i32
        %dma_start3A_340 = arith.constant 0 : i32
        %dma_start3A_341 = arith.constant 0 : i32
        %dma_start3A_342 = tpu.memref_slice %arg8[%select_n3A_321, %dma_start3A_340, %dma_start3A_341] : memref<6x8x2048xf32, #tpu.memory_space<vmem>> -> memref<1x8x2048xf32, #tpu.memory_space<vmem>>
        %dma_start3A_343 = tpu.memref_squeeze %dma_start3A_342 : memref<1x8x2048xf32, #tpu.memory_space<vmem>> -> memref<8x2048xf32, #tpu.memory_space<vmem>>
        %dma_start3A_344 = arith.constant 0 : i32
        %dma_start3A_345 = tpu.memref_slice %arg2[%add3A_339, %dma_start3A_344] : memref<16384x2048xf32, #tpu.memory_space<hbm>> -> memref<8x2048xf32, #tpu.memory_space<hbm>>
        %dma_start3A_346 = tpu.memref_slice %arg9[%select_n3A_321] : memref<6x!tpu.dma_semaphore, #tpu.memory_space<semaphore_mem>> -> memref<1x!tpu.dma_semaphore, #tpu.memory_space<semaphore_mem>>
        %dma_start3A_347 = tpu.memref_squeeze %dma_start3A_346 : memref<1x!tpu.dma_semaphore, #tpu.memory_space<semaphore_mem>> -> memref<!tpu.dma_semaphore, #tpu.memory_space<semaphore_mem>>
        %dma_start3A_348 = arith.constant 0 : i32
        %dma_start3A_349 = arith.constant 0 : i32
        %dma_start3A_350 = tpu.memref_slice %arg8[%select_n3A_321, %dma_start3A_348, %dma_start3A_349] : memref<6x8x2048xf32, #tpu.memory_space<vmem>> -> memref<1x8x2048xf32, #tpu.memory_space<vmem>>
        %dma_start3A_351 = tpu.memref_squeeze %dma_start3A_350 : memref<1x8x2048xf32, #tpu.memory_space<vmem>> -> memref<8x2048xf32, #tpu.memory_space<vmem>>
        %dma_start3A_352 = arith.constant 0 : i32
        %dma_start3A_353 = tpu.memref_slice %arg2[%add3A_339, %dma_start3A_352] : memref<16384x2048xf32, #tpu.memory_space<hbm>> -> memref<8x2048xf32, #tpu.memory_space<hbm>>
        tpu.enqueue_dma source(%dma_start3A_353 : memref<8x2048xf32, #tpu.memory_space<hbm>>) target(%dma_start3A_351 : memref<8x2048xf32, #tpu.memory_space<vmem>>) target_semaphore(%dma_start3A_347 : memref<!tpu.dma_semaphore, #tpu.memory_space<semaphore_mem>>)
      } else {
      }
    }
    %scan3A_96 = arith.constant 64 : i32
    %add3A_97 = arith.constant 504 : i32
    %add3A_98 = arith.addi %mul3A_2, %add3A_97 : i32
    %dma_wait3A = arith.constant 3 : i32
    %dma_wait3A_99 = arith.constant 3 : i32
    %dma_wait3A_100 = arith.constant 0 : i32
    %dma_wait3A_101 = arith.constant 0 : i32
    %dma_wait3A_102 = tpu.memref_slice %arg8[%dma_wait3A, %dma_wait3A_100, %dma_wait3A_101] : memref<6x8x2048xf32, #tpu.memory_space<vmem>> -> memref<1x8x2048xf32, #tpu.memory_space<vmem>>
    %dma_wait3A_103 = tpu.memref_squeeze %dma_wait3A_102 : memref<1x8x2048xf32, #tpu.memory_space<vmem>> -> memref<8x2048xf32, #tpu.memory_space<vmem>>
    %dma_wait3A_104 = arith.constant 0 : i32
    %dma_wait3A_105 = tpu.memref_slice %arg5[%add3A_98, %dma_wait3A_104] : memref<16384x2048xf32, #tpu.memory_space<hbm>> -> memref<8x2048xf32, #tpu.memory_space<hbm>>
    %dma_wait3A_106 = tpu.memref_slice %arg10[%dma_wait3A_99] : memref<6x!tpu.dma_semaphore, #tpu.memory_space<semaphore_mem>> -> memref<1x!tpu.dma_semaphore, #tpu.memory_space<semaphore_mem>>
    %dma_wait3A_107 = tpu.memref_squeeze %dma_wait3A_106 : memref<1x!tpu.dma_semaphore, #tpu.memory_space<semaphore_mem>> -> memref<!tpu.dma_semaphore, #tpu.memory_space<semaphore_mem>>
    %dma_wait3A_108 = arith.constant 0 : i32
    %dma_wait3A_109 = tpu.memref_slice %arg5[%add3A_98, %dma_wait3A_108] : memref<16384x2048xf32, #tpu.memory_space<hbm>> -> memref<8x2048xf32, #tpu.memory_space<hbm>>
    %dma_wait3A_110 = arith.constant 0 : i32
    %dma_wait3A_111 = arith.constant 0 : i32
    %dma_wait3A_112 = tpu.memref_slice %arg8[%dma_wait3A, %dma_wait3A_110, %dma_wait3A_111] : memref<6x8x2048xf32, #tpu.memory_space<vmem>> -> memref<1x8x2048xf32, #tpu.memory_space<vmem>>
    %dma_wait3A_113 = tpu.memref_squeeze %dma_wait3A_112 : memref<1x8x2048xf32, #tpu.memory_space<vmem>> -> memref<8x2048xf32, #tpu.memory_space<vmem>>
    tpu.wait_dma2 semaphore(%dma_wait3A_107 : memref<!tpu.dma_semaphore, #tpu.memory_space<semaphore_mem>>) src(%dma_wait3A_113 : memref<8x2048xf32, #tpu.memory_space<vmem>>) dst(%dma_wait3A_109 : memref<8x2048xf32, #tpu.memory_space<hbm>>)
    return
  }
}

</mosaic_0001>

<sc_bundles>
// kernel: _sc_run.3.cloned.1.call-start
scs
__scs_entry_jumppad:
0x0: {  	(pc) =	sbr.rel $0x88, $3  }
0x1: {  	(tag) =	ssettag $0x0;
	lr =	simm.s32 $0x1  }
0x2: {  	[smem:$0x3F9E] =	sst lr;
	_ =	strace $0xD0000000  }
0x3: {  	_ = 	snop  }
0x4: {  	_ = 	snop  }
0x5: {  	_ = 	snop  }
0x6: {  	_ = 	snop  }
0x7: {  	_ = 	snop  }
__scs_overlays_trampoline_lowered:
0x8: {  	[smem:$0x3FAD] =	sst s0  }
0x9: {  	[smem:$0x3FAE] =	sst s1  }
0xa: {  	[smem:$0x3FAF] =	sst s2  }
0xb: {  	[smem:$0x3FB0] =	sst s3  }
0xc: {  	[smem:$0x3FB1] =	sst s4  }
0xd: {  	[smem:$0x3FB2] =	sst s5  }
0xe: {  	[smem:$0x3FB3] =	sst s6  }
0xf: {  	[smem:$0x3FB4] =	sst s7  }
0x10: {  	[smem:$0x3FB5] =	sst s8  }
0x11: {  	[smem:$0x3FB6] =	sst s9;
	s0 =	simm.s32 @!p0 $0x0  }
0x12: {  	s1 =	sld [smem:$0x3F9C];
	s0 =	simm.s32 @p0 $0x1  }
0x13: {  	[smem:$0x3FB7] =	sst s0;
	s0 =	simm.s32 @!p1 $0x0  }
0x14: {  	s2 =	sld [smem:$0x3F9B];
	s0 =	simm.s32 @p1 $0x1  }
0x15: {  	[smem:$0x3FB8] =	sst s0;
	s0 =	simm.s32 @!p2 $0x0  }
0x16: {  	s3 =	sld [smem:$0x3FDB];
	s0 =	simm.s32 @p2 $0x1  }
0x17: {  	s4 =	simm.s32 $0x1BF5;
	[smem:$0x3FBA] =	sst s0  }
0x18: {  	s0 =	sld [smem:$0x3F9D];
	_ =	swait.ge [sflag:s4], $0x0  }
0x19: {  	s7 =	sld [smem:$0x3F9E]  }
0x1a: {  	s8 =	sadd.s32 $0xFFFFE003, lr  }
0x1b: {  	s9 =	sadd.s32 $0xFFFFFEF7, lr;
	s5 =	simm.s32 $0xFFFFFFFF;
	p2 =	slt.u32 s8, $0xFFFFF086  }
0x1c: {  	p1 =	slt.u32 s9, $0xF7A;
	s5 =	simm.s32 @!p2 $0x0  }
0x1d: {  	s5 =	simm.s32 @p1 $0x1;
	p0 =	seq.s32 s7, s2  }
0x1e: {  	s7 =	smul.u32 @!p0 $0xF7A, s2;
	p2 =	seq.s32 @!p0 s5, $0x0  }
0x1f: {  	s9 =	smul.u32 $0xF7A, s1;
	s8 =	simm.s32 @!p0 $0x1BF5;
	p2 =	por !p2, p0  }
0x20: {  	[sflag:s8] =	ssyncset.s32 @!p0 $0xFFFFF086;
	s6 =	sadd.s32 @!p0 s3, s7;
	s7 =	simm.s32 @!p0 $0x108  }
0x21: {  	s3 =	sadd.s32 s3, s9;
	s6 =	sadd.s32 @!p0 $0x88, s6;
	s7 =	simm.s32 @p2 $0x1082  }
0x22: {  	[simem:s7], [sflag:s8] =	dma.local @!p0 [hbm:s6], $0xF7A  }
0x23: {  	s9 =	sor.u32 $0xD0000000, s2;
	s6 =	simm.s32 $0x108;
	_ =	swait.ge @!p0 [sflag:s8], $0x0  }
0x24: {  	s3 =	sadd.s32 $0x88, s3;
	s6 =	simm.s32 @!p1 $0x1082;
	[sflag:s4] =	ssyncset.s32 $0xFFFFF086  }
0x25: {  	[simem:s6], [sflag:s4] =	dma.local [hbm:s3], $0xF7A  }
0x26: {  	[smem:$0x3F9E] =	sst s1;
	(tag) =	ssettag s2;
	_ =	strace s9  }
0x27: {  	s1 =	sld [smem:$0x3FAE]  }
0x28: {  	s2 =	sld [smem:$0x3FAF]  }
0x29: {  	s4 =	sld [smem:$0x3FB1]  }
0x2a: {  	p0 =	seq.s32 s5, $0x0;
	s5 =	sld [smem:$0x3FB2]  }
0x2b: {  	s6 =	sld [smem:$0x3FB3]  }
0x2c: {  	s7 =	sld [smem:$0x3FB4]  }
0x2d: {  	s3 =	simm.s32 $0x108;
	s8 =	sld [smem:$0x3FB5]  }
0x2e: {  	s3 =	simm.s32 @!p0 $0x1082;
	s9 =	sld [smem:$0x3FB6]  }
0x2f: {  	lr =	sadd.s32 s0, s3;
	s0 =	sld [smem:$0x3FAD]  }
0x30: {  	s3 =	sld [smem:$0x3FB0]  }
0x31: {  	[smem:$0x3FB9] =	sst s10  }
0x32: {  	s10 =	sld [smem:$0x3FB7];
	_ =	sdelay $0x3  }
0x33: {  	p0 =	seq.s32 s10, $0x1;
	s10 =	sld [smem:$0x3FB9];
	_ =	sdelay $0x3  }
0x34: {  	[smem:$0x3FB9] =	sst s10  }
0x35: {  	s10 =	sld [smem:$0x3FB8];
	_ =	sdelay $0x3  }
0x36: {  	p1 =	seq.s32 s10, $0x1;
	s10 =	sld [smem:$0x3FB9];
	_ =	sdelay $0x3  }
0x37: {  	[smem:$0x3FB9] =	sst s10  }
0x38: {  	s10 =	sld [smem:$0x3FBA]  }
0x39: {  	_ = 	snop;
	(pc) =	sbr.ind lr, $3  }
0x3a: {  	_ = 	snop  }
0x3b: {  	_ = 	snop  }
0x3c: {  	p2 =	seq.s32 s10, $0x1;
	s10 =	sld [smem:$0x3FB9]  }
0x3d: {  	_ =	shalt  }
0x3e: {  	_ =	shalt  }
0x3f: {  	_ =	shalt  }
0x40: {  	_ =	shalt  }
0x41: {  	_ =	shalt  }
0x42: {  	_ =	shalt  }
0x43: {  	_ =	shalt  }
0x44: {  	_ =	shalt  }
0x45: {  	_ =	shalt  }
0x46: {  	_ =	shalt  }
0x47: {  	_ =	shalt  }
0x48: {  	_ =	shalt  }
0x49: {  	_ =	shalt  }
0x4a: {  	_ =	shalt  }
0x4b: {  	_ =	shalt  }
0x4c: {  	_ =	shalt  }
0x4d: {  	_ =	shalt  }
0x4e: {  	_ =	shalt  }
0x4f: {  	_ =	shalt  }
0x50: {  	_ =	shalt  }
0x51: {  	_ =	shalt  }
0x52: {  	_ =	shalt  }
0x53: {  	_ =	shalt  }
0x54: {  	_ =	shalt  }
0x55: {  	_ =	shalt  }
0x56: {  	_ =	shalt  }
0x57: {  	_ =	shalt  }
0x58: {  	_ =	shalt  }
0x59: {  	_ =	shalt  }
0x5a: {  	_ =	shalt  }
0x5b: {  	_ =	shalt  }
0x5c: {  	_ =	shalt  }
0x5d: {  	_ =	shalt  }
0x5e: {  	_ =	shalt  }
0x5f: {  	_ =	shalt  }
0x60: {  	_ =	shalt  }
0x61: {  	_ =	shalt  }
0x62: {  	_ =	shalt  }
0x63: {  	_ =	shalt  }
0x64: {  	_ =	shalt  }
0x65: {  	_ =	shalt  }
0x66: {  	_ =	shalt  }
0x67: {  	_ =	shalt  }
0x68: {  	_ =	shalt  }
0x69: {  	_ =	shalt  }
0x6a: {  	_ =	shalt  }
0x6b: {  	_ =	shalt  }
0x6c: {  	_ =	shalt  }
0x6d: {  	_ =	shalt  }
0x6e: {  	_ =	shalt  }
0x6f: {  	_ =	shalt  }
0x70: {  	_ =	shalt  }
0x71: {  	_ =	shalt  }
0x72: {  	_ =	shalt  }
0x73: {  	_ =	shalt  }
0x74: {  	_ =	shalt  }
0x75: {  	_ =	shalt  }
0x76: {  	_ =	shalt  }
0x77: {  	_ =	shalt  }
0x78: {  	_ =	shalt  }
0x79: {  	_ =	shalt  }
0x7a: {  	_ =	shalt  }
0x7b: {  	_ =	shalt  }
0x7c: {  	_ =	shalt  }
0x7d: {  	_ =	shalt  }
0x7e: {  	_ =	shalt  }
0x7f: {  	_ =	shalt  }
0x80: {  	_ =	shalt  }
0x81: {  	_ =	shalt  }
0x82: {  	_ =	shalt  }
0x83: {  	_ =	shalt  }
0x84: {  	_ =	shalt  }
0x85: {  	_ =	shalt  }
0x86: {  	_ =	shalt  }
0x87: {  	_ =	shalt  }
.Lfunc_end0:
.L_simem_size_0:
called_computation_lowered:
.L_overlay_start_0:
0x88: {  	s2 =	sld [smem:$0x3FD9]  }
0x89: {  	s3 =	sld [smem:$0x3FFE];
	_ =	sdelay $0x1  }
0x8a: {  	s1 =	srdreg.scid  }
0x8b: {  	s0 =	sand.u32 $0x1, s1  }
0x8c: {  	s18 =	sshll.u32 s0, $0xA;
	s2 =	sadd.s32 s3, s2  }
0x8d: {  	s2 =	sadd.s32 s2, s18  }
0x8e: {  	[smem:$0x3FC5] =	sst s2  }
0x8f: {  	_ = 	snop  }
0x90: {  	s2 =	sld [smem:$0x3FC9]  }
0x91: {  	s19 =	sld [smem:$0x3FC8]  }
0x92: {  	s4 =	sld [smem:$0x3FC7]  }
0x93: {  	s5 =	sld [smem:$0x3FD0];
	(tm) =	ssettm $0x1  }
0x94: {  	s6 =	sld [smem:$0x3FFB];
	_ =	sdelay $0x3  }
0x95: {  	_ =	strace s6  }
0x96: {  	s6 =	sld [smem:$0x3FFC];
	_ =	sdelay $0x3  }
0x97: {  	_ =	strace s6  }
0x98: {  	s6 =	sld [smem:$0x3FFD];
	_ =	sdelay $0x3  }
0x99: {  	_ =	strace s6  }
0x9a: {  	_ =	strace $0x8FFFFFFF  }
0x9b: {  	s20 =	sld [smem:$0x3FDB];
	_ =	sdelay $0x1  }
0x9c: {  	s7 =	simm.s32 $_scs_section_size  }
0x9d: {  	s8 =	simm.s32 $_size__tile_overlayer_lowered;
	s9 =	simm.s32 $_tile_overlayer_lowered  }
0x9e: {  	s23 =	simm.s32 $0x1BFF;
	s22 =	sshll.u32 s9, $0x1;
	s6 =	sadd.s32 s7, s20  }
0x9f: {  	s10 =	simm.s32 $0x0;
	s21 =	sshll.u32 s8, $0x1;
	s8 =	sadd.s32 s22, s6  }
0xa0: {  	[timem:s10], [sflag:s23] =	dma.local [hbm:s8], s21  }
0xa1: {  	_ =	swait.ge [sflag:s23], s21  }
0xa2: {  	s7 =	ssub.s32 $0x0, s21;
	[sflag:s23] =	ssyncset.done $0x0  }
0xa3: {  	[sflag:s23] =	ssyncadd.s32 s7;
	_ =	sdelay $0x1  }
0xa4: {  	s24 =	simm.s32 $0x1B8B  }
0xa5: {  	_ =	swait.ge [sflag:s24], $0x1  }
0xa6: {  	[sflag:s24] =	ssyncset.done $0x0  }
0xa7: {  	s25 =	simm.s32 $0x1B8E;
	[sflag:s24] =	ssyncadd.s32 $0xFFFFFFFF  }
0xa8: {  	s26 =	simm.s32 $execute0_lowered;
	[smem:$0x3FD2] =	sst s25  }
0xa9: {  	s7 =	sshll.u32 s26, $0x1;
	_ =	strace $0x80000046;
	[dreg:$0x1] =	wrdreg $0xFFFFFFFF  }
0xaa: {  	s28 =	simm.s32 $_size_execute0_lowered;
	s6 =	sadd.s32 s6, s7;
	[dreg:$0x0] =	wrdreg $0x0  }
0xab: {  	s7 =	sshll.u32 s28, $0x1;
	[dreg:$0x2] =	wrdreg s6  }
0xac: {  	[dreg:$0x3] =	wrdreg s7  }
0xad: {  	[dreg:$0x4] =	wrdreg $0xC0  }
0xae: {  	_ =	task [dreg:s10], $0x5FFFF  }
0xaf: {  	[dreg:$0x1] =	wrdreg $0xFFFFFFFF  }
0xb0: {  	[dreg:$0x0] =	wrdreg $0x60  }
0xb1: {  	[dreg:$0x2] =	wrdreg s2  }
0xb2: {  	[dreg:$0x3] =	wrdreg s19  }
0xb3: {  	[dreg:$0x4] =	wrdreg s4  }
0xb4: {  	[dreg:$0x5] =	wrdreg s5  }
0xb5: {  	[dreg:$0x6] =	wrdreg $0x9  }
0xb6: {  	_ =	task.clear_ibuf [dreg:s10], $0x7FFFF;
	_ =	strace $0x90000046  }
0xb7: {  	s29 =	simm.s32 $0x9;
	_ =	strace $0x80000048  }
0xb8: {  	_ =	swait.ge [sflag:s29], $0x1  }
0xb9: {  	[sflag:s29] =	ssyncadd.s32 $0xFFFFFFFF  }
0xba: {  	_ =	strace $0x90000048  }
0xbb: {  	_ =	sfence  }
0xbc: {  	s30 =	sld [smem:$0x0];
	_ =	sdelay $0x2  }
0xbd: {  	s31 =	sshll.u32 s1, $0xD;
	s1 =	sshrl.u32 s1, $0x2  }
0xbe: {  	s3 =	sand.u32 $0x4000, s31;
	s1 =	sadd.s32 s1, s30  }
0xbf: {  	s0 =	sor.u32 s3, s0;
	s1 =	sshll.u32 s1, $0x11  }
0xc0: {  	s0 =	sor.u32 s1, s0  }
0xc1: {  	s0 =	sadd.s32 $0x8F2B, s0  }
0xc2: {  	[sflag:s0] =	ssyncadd.remote.s32 $0x1  }
0xc3: {  	_ =	sfence.sel $0xFFFF  }
0xc4: {  	[dreg:$0x0] =	wrdreg $0xFFFFFFFF;
	(pc) =	sbr.abs _section_cstart, $3  }
0xc5: {  	[dreg:$0x1] =	wrdreg $0xFFFFFFFF  }
0xc6: {  	_ =	task.clear_ibuf [dreg:s10], $0x2FFFF;
	_ =	strace $0x9FFFFFFF  }
0xc7: {  	(tm) =	ssettm $0x7FFFFFFF  }
tec
execute0_lowered:
.L_overlay_start_1:
0x0: {  	(tag) =	ssettag $0x1  }
0x1: {  	s1 =	rddreg [dreg:$0x0]  }
0x2: {  	s8 =	rddreg [dreg:$0x1]  }
0x3: {  	s3 =	rddreg [dreg:$0x2]  }
0x4: {  	s4 =	rddreg [dreg:$0x3];
	s5 =	srdreg.scid  }
0x5: {  	s0 =	rddreg [dreg:$0x4];
	s2 =	stileid.u32  }
0x6: {  	s14 =	simm.s32 $0xD;
	s15 =	simm.s32 $0x5800;
	s16 =	simm.s32 $0x9A00  }
0x7: {  	s17 =	simm.s32 $0xDA00;
	s18 =	simm.s32 $0x11A00;
	s19 =	simm.s32 $0x15A00  }
0x8: {  	s20 =	simm.s32 $0xA;
	s21 =	simm.s32 $0x0;
	s6 =	sand.u32 $0x1, s5  }
0x9: {  	s5 =	simm.s32 $0x0;
	s7 =	sshll.u32 s2, $0xA;
	s9 =	sshll.u32 s6, $0x9  }
0xa: {  	[smem:$0x7FF] =	sst s5;
	s31 =	ssub.s32 $0x2, s6;
	s7 =	sor.u32 s9, s7  }
0xb: {  	_ =	strace $0x80000047;
	s11 =	sshrl.u32 s31, $0x1;
	s10 =	sshll.u32 s7, $0x8  }
0xc: {  	s6 =	sshrl.u32 s7, $0x3;
	s13 =	ssub.s32 s31, s11;
	s7 =	sadd.s32 s1, s10  }
0xd: {  	s8 =	sadd.s32 s8, s6;
	s13 =	smax.u32 s13, $0x1;
	s9 =	sadd.s32 $0x800, s7  }
0xe: {  	s10 =	sadd.s32 $0x1000, s7;
	s11 =	sadd.s32 $0x1800, s7;
	s12 =	sadd.s32 $0x2000, s7  }
.LBB2_1:
0xf: {  	[tilespmem:s5], [sflag:$0xD] =	stream.linear.gather [hbm4b:s3+s5], $0x5800, $0x38;
	[tilespmem:$0x1DA00] =	vst v63  }
0x10: {  	_ =	swait.ge [sflag:s14], $0x5800  }
0x11: {  	[sflag:s14] =	ssyncset.done $0x0  }
0x12: {  	[sflag:s14] =	ssyncadd.s32 $0xFFFFA800  }
0x13: {  	[tilespmem:s15], [sflag:$0xD] =	stream.linear.gather [hbm4b:s8+s5], $0x200, $0x38;
	[tilespmem:$0x1DA00] =	vst v63  }
0x14: {  	_ =	swait.ge [sflag:s14], $0x200  }
0x15: {  	[sflag:s14] =	ssyncset.done $0x0  }
0x16: {  	s22 =	simm.s32 $0x5A00;
	[sflag:s14] =	ssyncadd.s32 $0xFFFFFE00  }
0x17: {  	[tilespmem:s22], [sflag:$0x1] =	stream.linear.gather [hbm4b:s7+s5], $0x4000, $0x38;
	[tilespmem:$0x1DA00] =	vst v63  }
0x18: {  	_ = 	snop  }
0x19: {  	[tilespmem:s16], [sflag:$0x2] =	stream.linear.gather [hbm4b:s9+s5], $0x4000, $0x38;
	[tilespmem:$0x1DA00] =	vst v63  }
0x1a: {  	_ = 	snop  }
0x1b: {  	[tilespmem:s17], [sflag:$0x3] =	stream.linear.gather [hbm4b:s10+s5], $0x4000, $0x38;
	[tilespmem:$0x1DA00] =	vst v63  }
0x1c: {  	_ = 	snop  }
0x1d: {  	[tilespmem:s18], [sflag:$0x4] =	stream.linear.gather [hbm4b:s11+s5], $0x4000, $0x38;
	[tilespmem:$0x1DA00] =	vst v63  }
0x1e: {  	s23 =	simm.s32 $0x0  }
0x1f: {  	[tilespmem:s19], [sflag:$0x5] =	stream.linear.gather [hbm4b:s12+s5], $0x4000, $0x38;
	[tilespmem:$0x1DA00] =	vst v63  }
.LBB2_2:
0x20: {  	s24 =	smul.u32 $0xAB, s23;
	_ =	sdelay $0x1  }
0x21: {  	s24 =	sshrl.u32 s24, $0xA  }
0x22: {  	s24 =	sand.u32 $0x3F, s24  }
0x23: {  	s24 =	smul.u32 $0x6, s24;
	_ =	sdelay $0x1  }
0x24: {  	s24 =	ssub.s32 s23, s24  }
0x25: {  	s24 =	sand.u32 $0xFF, s24  }
0x26: {  	s25 =	sadd.s32 $0x1, s24  }
0x27: {  	_ =	swait.ge [sflag:s25], $0x4000  }
0x28: {  	s26 =	sshll.u32 s23, $0x3;
	[sflag:s25] =	ssyncset.done $0x0  }
0x29: {  	s26 =	sand.u32 $0x1F0, s26;
	[sflag:s25] =	ssyncadd.s32 $0xFFFFC000  }
0x2a: {  	v0 =	vld [tilespmem:s26+$0x5800];
	_ =	sdelay $0x4  }
0x2b: {  	(v2sf) =	vpush v0, $0x8  }
0x2c: {  	(v2sf) =	vpush v0, $0x0;
	_ =	sdelay $0xd  }
0x2d: {  	s31 =	sand.u32 $0x1, s23;
	s25 =	spop (v2sf)  }
0x2e: {  	p0 =	seq.s32 s31, $0x0;
	s26 =	spop (v2sf)  }
0x2f: {  	s25 =	smov.u32 @p0 s26  }
0x30: {  	s28 =	smulhi.u32 $0xAAAAAAAB, s23;
	s25 =	sshll.u32 s25, $0xD  }
0x31: {  	s25 =	sshra.s32 s25, $0x2  }
0x32: {  	s31 =	sshrl.u32 s28, $0x2;
	s28 =	sor.u32 $0x40, s25  }
0x33: {  	s26 =	smul.u32 $0xFFFA0000, s31;
	v1 =	vld [tilespmem:s28+$0xFFFFFFC0]  }
0x34: {  	v2 =	vld [tilespmem:s28+$0xFFFFFFD0]  }
0x35: {  	s29 =	simm.s32 $0x0;
	s31 =	sshll.u32 s24, $0xE;
	s26 =	sshra.s32 s26, $0x2;
	v3 =	vld [tilespmem:s28+$0xFFFFFFE0]  }
0x36: {  	s30 =	simm.s32 $0x1000;
	s26 =	sadd.s32 s26, s22;
	s25 =	sadd.s32 $0x5A00, s31;
	v4 =	vld [tilespmem:s28+$0x30]  }
.LBB2_3:
0x37: {  	p1 =	sne.s32 s30, $0xF000;
	v5 =	vld [tilespmem:s28+$0xFFFFFFF0]  }
0x38: {  	v6 =	vld [tilespmem:s28+$0x0]  }
0x39: {  	s31 =	sshra.s32 s29, $0x2;
	s29 =	smov.u32 s30;
	v7 =	vld [tilespmem:s28+$0x10]  }
0x3a: {  	s31 =	sadd.s32 s31, s26;
	v8 =	vld [tilespmem:s28+$0x20]  }
0x3b: {  	[tilespmem:s31+$0x70] =	vst.add.f32.msk $0xffff, v4  }
0x3c: {  	[tilespmem:s31+$0x0] =	vst.add.f32.msk $0xffff, v1  }
0x3d: {  	[tilespmem:s31+$0x10] =	vst.add.f32.msk $0xffff, v2  }
0x3e: {  	[tilespmem:s31+$0x20] =	vst.add.f32.msk $0xffff, v3  }
0x3f: {  	[tilespmem:s31+$0x30] =	vst.add.f32.msk $0xffff, v5  }
0x40: {  	[tilespmem:s31+$0x40] =	vst.add.f32.msk $0xffff, v6  }
0x41: {  	[tilespmem:s31+$0x50] =	vst.add.f32.msk $0xffff, v7  }
.Ltmp0:
0x42: {  	s28 =	sadd.s32 $0x80, s28;
	[tilespmem:s31+$0x60] =	vst.add.f32.msk $0xffff, v8;
	(pc) =	sbr.rel @p1 .LBB2_3-.Ltmp0, $4  }
0x43: {  	v1 =	vld [tilespmem:s28+$0xFFFFFFC0]  }
0x44: {  	v2 =	vld [tilespmem:s28+$0xFFFFFFD0]  }
0x45: {  	v3 =	vld [tilespmem:s28+$0xFFFFFFE0]  }
0x46: {  	s30 =	sadd.s32 $0x1000, s30;
	v4 =	vld [tilespmem:s28+$0x30]  }
0x47: {  	(v2sf) =	vpush v0, $0x9  }
0x48: {  	(v2sf) =	vpush v0, $0x1;
	_ =	sdelay $0x7  }
0x49: {  	v5 =	vld [tilespmem:s28+$0xFFFFFFF0]  }
0x4a: {  	v6 =	vld [tilespmem:s28+$0x0]  }
0x4b: {  	v7 =	vld [tilespmem:s28+$0x10];
	s29 =	sshra.s32 s29, $0x2  }
0x4c: {  	v8 =	vld [tilespmem:s28+$0x20];
	s28 =	sadd.s32 s29, s26  }
0x4d: {  	[tilespmem:s28+$0x0] =	vst.add.f32.msk $0xffff, v1  }
0x4e: {  	[tilespmem:s28+$0x10] =	vst.add.f32.msk $0xffff, v2  }
0x4f: {  	[tilespmem:s28+$0x20] =	vst.add.f32.msk $0xffff, v3;
	s29 =	spop (v2sf)  }
0x50: {  	[tilespmem:s28+$0x70] =	vst.add.f32.msk $0xffff, v4;
	s30 =	spop (v2sf)  }
0x51: {  	[tilespmem:s28+$0x30] =	vst.add.f32.msk $0xffff, v5;
	s29 =	smov.u32 @p0 s30  }
0x52: {  	[tilespmem:s28+$0x40] =	vst.add.f32.msk $0xffff, v6;
	s29 =	sshll.u32 s29, $0xD  }
0x53: {  	[tilespmem:s28+$0x50] =	vst.add.f32.msk $0xffff, v7;
	s29 =	sshra.s32 s29, $0x2  }
0x54: {  	[tilespmem:s28+$0x60] =	vst.add.f32.msk $0xffff, v8;
	s28 =	sor.u32 $0x40, s29  }
0x55: {  	v3 =	vld [tilespmem:s28+$0xFFFFFFC0]  }
0x56: {  	v1 =	vld [tilespmem:s28+$0xFFFFFFD0]  }
0x57: {  	v2 =	vld [tilespmem:s28+$0xFFFFFFE0]  }
0x58: {  	s30 =	simm.s32 $0x1000;
	s29 =	simm.s32 $0x0;
	v4 =	vld [tilespmem:s28+$0x30]  }
.LBB2_5:
0x59: {  	p1 =	sne.s32 s30, $0xF000;
	v5 =	vld [tilespmem:s28+$0xFFFFFFF0]  }
0x5a: {  	v6 =	vld [tilespmem:s28+$0x0]  }
0x5b: {  	s31 =	sshra.s32 s29, $0x2;
	s29 =	smov.u32 s30;
	v7 =	vld [tilespmem:s28+$0x10]  }
0x5c: {  	s31 =	sadd.s32 s31, s26;
	v8 =	vld [tilespmem:s28+$0x20]  }
0x5d: {  	[tilespmem:s31+$0xF0] =	vst.add.f32.msk $0xffff, v4  }
0x5e: {  	[tilespmem:s31+$0x80] =	vst.add.f32.msk $0xffff, v3  }
0x5f: {  	[tilespmem:s31+$0x90] =	vst.add.f32.msk $0xffff, v1  }
0x60: {  	[tilespmem:s31+$0xA0] =	vst.add.f32.msk $0xffff, v2  }
0x61: {  	[tilespmem:s31+$0xB0] =	vst.add.f32.msk $0xffff, v5  }
0x62: {  	[tilespmem:s31+$0xC0] =	vst.add.f32.msk $0xffff, v6  }
0x63: {  	[tilespmem:s31+$0xD0] =	vst.add.f32.msk $0xffff, v7  }
.Ltmp1:
0x64: {  	s28 =	sadd.s32 $0x80, s28;
	[tilespmem:s31+$0xE0] =	vst.add.f32.msk $0xffff, v8;
	(pc) =	sbr.rel @p1 .LBB2_5-.Ltmp1, $4  }
0x65: {  	v3 =	vld [tilespmem:s28+$0xFFFFFFC0]  }
0x66: {  	v1 =	vld [tilespmem:s28+$0xFFFFFFD0]  }
0x67: {  	v2 =	vld [tilespmem:s28+$0xFFFFFFE0]  }
0x68: {  	s30 =	sadd.s32 $0x1000, s30;
	v4 =	vld [tilespmem:s28+$0x30]  }
0x69: {  	(v2sf) =	vpush v0, $0xA  }
0x6a: {  	(v2sf) =	vpush v0, $0x2;
	_ =	sdelay $0x7  }
0x6b: {  	v5 =	vld [tilespmem:s28+$0xFFFFFFF0]  }
0x6c: {  	v6 =	vld [tilespmem:s28+$0x0]  }
0x6d: {  	v7 =	vld [tilespmem:s28+$0x10];
	s29 =	sshra.s32 s29, $0x2  }
0x6e: {  	v8 =	vld [tilespmem:s28+$0x20];
	s28 =	sadd.s32 s29, s26  }
0x6f: {  	[tilespmem:s28+$0x80] =	vst.add.f32.msk $0xffff, v3  }
0x70: {  	[tilespmem:s28+$0x90] =	vst.add.f32.msk $0xffff, v1  }
0x71: {  	[tilespmem:s28+$0xA0] =	vst.add.f32.msk $0xffff, v2;
	s29 =	spop (v2sf)  }
0x72: {  	[tilespmem:s28+$0xF0] =	vst.add.f32.msk $0xffff, v4;
	s30 =	spop (v2sf)  }
0x73: {  	[tilespmem:s28+$0xB0] =	vst.add.f32.msk $0xffff, v5;
	s29 =	smov.u32 @p0 s30  }
0x74: {  	[tilespmem:s28+$0xC0] =	vst.add.f32.msk $0xffff, v6;
	s29 =	sshll.u32 s29, $0xD  }
0x75: {  	[tilespmem:s28+$0xD0] =	vst.add.f32.msk $0xffff, v7;
	s29 =	sshra.s32 s29, $0x2  }
0x76: {  	[tilespmem:s28+$0xE0] =	vst.add.f32.msk $0xffff, v8;
	s28 =	sor.u32 $0x40, s29  }
0x77: {  	v3 =	vld [tilespmem:s28+$0xFFFFFFC0]  }
0x78: {  	v1 =	vld [tilespmem:s28+$0xFFFFFFD0]  }
0x79: {  	v2 =	vld [tilespmem:s28+$0xFFFFFFE0]  }
0x7a: {  	s30 =	simm.s32 $0x1000;
	s29 =	simm.s32 $0x0;
	v4 =	vld [tilespmem:s28+$0x30]  }
.LBB2_7:
0x7b: {  	p1 =	sne.s32 s30, $0xF000;
	v5 =	vld [tilespmem:s28+$0xFFFFFFF0]  }
0x7c: {  	v6 =	vld [tilespmem:s28+$0x0]  }
0x7d: {  	s31 =	sshra.s32 s29, $0x2;
	s29 =	smov.u32 s30;
	v7 =	vld [tilespmem:s28+$0x10]  }
0x7e: {  	s31 =	sadd.s32 s31, s26;
	v8 =	vld [tilespmem:s28+$0x20]  }
0x7f: {  	[tilespmem:s31+$0x170] =	vst.add.f32.msk $0xffff, v4  }
0x80: {  	[tilespmem:s31+$0x100] =	vst.add.f32.msk $0xffff, v3  }
0x81: {  	[tilespmem:s31+$0x110] =	vst.add.f32.msk $0xffff, v1  }
0x82: {  	[tilespmem:s31+$0x120] =	vst.add.f32.msk $0xffff, v2  }
0x83: {  	[tilespmem:s31+$0x130] =	vst.add.f32.msk $0xffff, v5  }
0x84: {  	[tilespmem:s31+$0x140] =	vst.add.f32.msk $0xffff, v6  }
0x85: {  	[tilespmem:s31+$0x150] =	vst.add.f32.msk $0xffff, v7  }
.Ltmp2:
0x86: {  	s28 =	sadd.s32 $0x80, s28;
	[tilespmem:s31+$0x160] =	vst.add.f32.msk $0xffff, v8;
	(pc) =	sbr.rel @p1 .LBB2_7-.Ltmp2, $4  }
0x87: {  	v3 =	vld [tilespmem:s28+$0xFFFFFFC0]  }
0x88: {  	v1 =	vld [tilespmem:s28+$0xFFFFFFD0]  }
0x89: {  	v2 =	vld [tilespmem:s28+$0xFFFFFFE0]  }
0x8a: {  	s30 =	sadd.s32 $0x1000, s30;
	v4 =	vld [tilespmem:s28+$0x30]  }
0x8b: {  	(v2sf) =	vpush v0, $0xB  }
0x8c: {  	(v2sf) =	vpush v0, $0x3;
	_ =	sdelay $0x7  }
0x8d: {  	v5 =	vld [tilespmem:s28+$0xFFFFFFF0]  }
0x8e: {  	v6 =	vld [tilespmem:s28+$0x0]  }
0x8f: {  	v7 =	vld [tilespmem:s28+$0x10];
	s29 =	sshra.s32 s29, $0x2  }
0x90: {  	v8 =	vld [tilespmem:s28+$0x20];
	s28 =	sadd.s32 s29, s26  }
0x91: {  	[tilespmem:s28+$0x100] =	vst.add.f32.msk $0xffff, v3  }
0x92: {  	[tilespmem:s28+$0x110] =	vst.add.f32.msk $0xffff, v1  }
0x93: {  	[tilespmem:s28+$0x120] =	vst.add.f32.msk $0xffff, v2;
	s29 =	spop (v2sf)  }
0x94: {  	[tilespmem:s28+$0x170] =	vst.add.f32.msk $0xffff, v4;
	s30 =	spop (v2sf)  }
0x95: {  	[tilespmem:s28+$0x130] =	vst.add.f32.msk $0xffff, v5;
	s29 =	smov.u32 @p0 s30  }
0x96: {  	[tilespmem:s28+$0x140] =	vst.add.f32.msk $0xffff, v6;
	s29 =	sshll.u32 s29, $0xD  }
0x97: {  	[tilespmem:s28+$0x150] =	vst.add.f32.msk $0xffff, v7;
	s29 =	sshra.s32 s29, $0x2  }
0x98: {  	[tilespmem:s28+$0x160] =	vst.add.f32.msk $0xffff, v8;
	s28 =	sor.u32 $0x40, s29  }
0x99: {  	v3 =	vld [tilespmem:s28+$0xFFFFFFC0]  }
0x9a: {  	v1 =	vld [tilespmem:s28+$0xFFFFFFD0]  }
0x9b: {  	v2 =	vld [tilespmem:s28+$0xFFFFFFE0]  }
0x9c: {  	s30 =	simm.s32 $0x1000;
	s29 =	simm.s32 $0x0;
	v4 =	vld [tilespmem:s28+$0x30]  }
.LBB2_9:
0x9d: {  	p1 =	sne.s32 s30, $0xF000;
	v5 =	vld [tilespmem:s28+$0xFFFFFFF0]  }
0x9e: {  	v6 =	vld [tilespmem:s28+$0x0]  }
0x9f: {  	s31 =	sshra.s32 s29, $0x2;
	s29 =	smov.u32 s30;
	v7 =	vld [tilespmem:s28+$0x10]  }
0xa0: {  	s31 =	sadd.s32 s31, s26;
	v8 =	vld [tilespmem:s28+$0x20]  }
0xa1: {  	[tilespmem:s31+$0x1F0] =	vst.add.f32.msk $0xffff, v4  }
0xa2: {  	[tilespmem:s31+$0x180] =	vst.add.f32.msk $0xffff, v3  }
0xa3: {  	[tilespmem:s31+$0x190] =	vst.add.f32.msk $0xffff, v1  }
0xa4: {  	[tilespmem:s31+$0x1A0] =	vst.add.f32.msk $0xffff, v2  }
0xa5: {  	[tilespmem:s31+$0x1B0] =	vst.add.f32.msk $0xffff, v5  }
0xa6: {  	[tilespmem:s31+$0x1C0] =	vst.add.f32.msk $0xffff, v6  }
0xa7: {  	[tilespmem:s31+$0x1D0] =	vst.add.f32.msk $0xffff, v7  }
.Ltmp3:
0xa8: {  	s28 =	sadd.s32 $0x80, s28;
	[tilespmem:s31+$0x1E0] =	vst.add.f32.msk $0xffff, v8;
	(pc) =	sbr.rel @p1 .LBB2_9-.Ltmp3, $4  }
0xa9: {  	v3 =	vld [tilespmem:s28+$0xFFFFFFC0]  }
0xaa: {  	v1 =	vld [tilespmem:s28+$0xFFFFFFD0]  }
0xab: {  	v2 =	vld [tilespmem:s28+$0xFFFFFFE0]  }
0xac: {  	s30 =	sadd.s32 $0x1000, s30;
	v4 =	vld [tilespmem:s28+$0x30]  }
0xad: {  	(v2sf) =	vpush v0, $0xC  }
0xae: {  	(v2sf) =	vpush v0, $0x4;
	_ =	sdelay $0x7  }
0xaf: {  	v5 =	vld [tilespmem:s28+$0xFFFFFFF0]  }
0xb0: {  	v6 =	vld [tilespmem:s28+$0x0]  }
0xb1: {  	v7 =	vld [tilespmem:s28+$0x10];
	s29 =	sshra.s32 s29, $0x2  }
0xb2: {  	v8 =	vld [tilespmem:s28+$0x20];
	s28 =	sadd.s32 s29, s26  }
0xb3: {  	[tilespmem:s28+$0x180] =	vst.add.f32.msk $0xffff, v3  }
0xb4: {  	[tilespmem:s28+$0x190] =	vst.add.f32.msk $0xffff, v1  }
0xb5: {  	[tilespmem:s28+$0x1A0] =	vst.add.f32.msk $0xffff, v2;
	s29 =	spop (v2sf)  }
0xb6: {  	[tilespmem:s28+$0x1F0] =	vst.add.f32.msk $0xffff, v4;
	s30 =	spop (v2sf)  }
0xb7: {  	[tilespmem:s28+$0x1B0] =	vst.add.f32.msk $0xffff, v5;
	s29 =	smov.u32 @p0 s30  }
0xb8: {  	[tilespmem:s28+$0x1C0] =	vst.add.f32.msk $0xffff, v6;
	s29 =	sshll.u32 s29, $0xD  }
0xb9: {  	[tilespmem:s28+$0x1D0] =	vst.add.f32.msk $0xffff, v7;
	s29 =	sshra.s32 s29, $0x2  }
0xba: {  	[tilespmem:s28+$0x1E0] =	vst.add.f32.msk $0xffff, v8;
	s28 =	sor.u32 $0x40, s29  }
0xbb: {  	v3 =	vld [tilespmem:s28+$0xFFFFFFC0]  }
0xbc: {  	v1 =	vld [tilespmem:s28+$0xFFFFFFD0]  }
0xbd: {  	v2 =	vld [tilespmem:s28+$0xFFFFFFE0]  }
0xbe: {  	s30 =	simm.s32 $0x1000;
	s29 =	simm.s32 $0x0;
	v4 =	vld [tilespmem:s28+$0x30]  }
.LBB2_11:
0xbf: {  	p1 =	sne.s32 s30, $0xF000;
	v5 =	vld [tilespmem:s28+$0xFFFFFFF0]  }
0xc0: {  	v6 =	vld [tilespmem:s28+$0x0]  }
0xc1: {  	s31 =	sshra.s32 s29, $0x2;
	s29 =	smov.u32 s30;
	v7 =	vld [tilespmem:s28+$0x10]  }
0xc2: {  	s31 =	sadd.s32 s31, s26;
	v8 =	vld [tilespmem:s28+$0x20]  }
0xc3: {  	[tilespmem:s31+$0x270] =	vst.add.f32.msk $0xffff, v4  }
0xc4: {  	[tilespmem:s31+$0x200] =	vst.add.f32.msk $0xffff, v3  }
0xc5: {  	[tilespmem:s31+$0x210] =	vst.add.f32.msk $0xffff, v1  }
0xc6: {  	[tilespmem:s31+$0x220] =	vst.add.f32.msk $0xffff, v2  }
0xc7: {  	[tilespmem:s31+$0x230] =	vst.add.f32.msk $0xffff, v5  }
0xc8: {  	[tilespmem:s31+$0x240] =	vst.add.f32.msk $0xffff, v6  }
0xc9: {  	[tilespmem:s31+$0x250] =	vst.add.f32.msk $0xffff, v7  }
.Ltmp4:
0xca: {  	s28 =	sadd.s32 $0x80, s28;
	[tilespmem:s31+$0x260] =	vst.add.f32.msk $0xffff, v8;
	(pc) =	sbr.rel @p1 .LBB2_11-.Ltmp4, $4  }
0xcb: {  	v3 =	vld [tilespmem:s28+$0xFFFFFFC0]  }
0xcc: {  	v1 =	vld [tilespmem:s28+$0xFFFFFFD0]  }
0xcd: {  	v2 =	vld [tilespmem:s28+$0xFFFFFFE0]  }
0xce: {  	s30 =	sadd.s32 $0x1000, s30;
	v4 =	vld [tilespmem:s28+$0x30]  }
0xcf: {  	(v2sf) =	vpush v0, $0xD  }
0xd0: {  	(v2sf) =	vpush v0, $0x5;
	_ =	sdelay $0x7  }
0xd1: {  	v5 =	vld [tilespmem:s28+$0xFFFFFFF0]  }
0xd2: {  	v6 =	vld [tilespmem:s28+$0x0]  }
0xd3: {  	v7 =	vld [tilespmem:s28+$0x10];
	s29 =	sshra.s32 s29, $0x2  }
0xd4: {  	v8 =	vld [tilespmem:s28+$0x20];
	s28 =	sadd.s32 s29, s26  }
0xd5: {  	[tilespmem:s28+$0x200] =	vst.add.f32.msk $0xffff, v3  }
0xd6: {  	[tilespmem:s28+$0x210] =	vst.add.f32.msk $0xffff, v1  }
0xd7: {  	[tilespmem:s28+$0x220] =	vst.add.f32.msk $0xffff, v2;
	s29 =	spop (v2sf)  }
0xd8: {  	[tilespmem:s28+$0x270] =	vst.add.f32.msk $0xffff, v4;
	s30 =	spop (v2sf)  }
0xd9: {  	[tilespmem:s28+$0x230] =	vst.add.f32.msk $0xffff, v5;
	s29 =	smov.u32 @p0 s30  }
0xda: {  	[tilespmem:s28+$0x240] =	vst.add.f32.msk $0xffff, v6;
	s29 =	sshll.u32 s29, $0xD  }
0xdb: {  	[tilespmem:s28+$0x250] =	vst.add.f32.msk $0xffff, v7;
	s29 =	sshra.s32 s29, $0x2  }
0xdc: {  	[tilespmem:s28+$0x260] =	vst.add.f32.msk $0xffff, v8;
	s28 =	sor.u32 $0x40, s29  }
0xdd: {  	v3 =	vld [tilespmem:s28+$0xFFFFFFC0]  }
0xde: {  	v1 =	vld [tilespmem:s28+$0xFFFFFFD0]  }
0xdf: {  	v2 =	vld [tilespmem:s28+$0xFFFFFFE0]  }
0xe0: {  	s30 =	simm.s32 $0x1000;
	s29 =	simm.s32 $0x0;
	v4 =	vld [tilespmem:s28+$0x30]  }
.LBB2_13:
0xe1: {  	p1 =	sne.s32 s30, $0xF000;
	v5 =	vld [tilespmem:s28+$0xFFFFFFF0]  }
0xe2: {  	v6 =	vld [tilespmem:s28+$0x0]  }
0xe3: {  	s31 =	sshra.s32 s29, $0x2;
	s29 =	smov.u32 s30;
	v7 =	vld [tilespmem:s28+$0x10]  }
0xe4: {  	s31 =	sadd.s32 s31, s26;
	v8 =	vld [tilespmem:s28+$0x20]  }
0xe5: {  	[tilespmem:s31+$0x2F0] =	vst.add.f32.msk $0xffff, v4  }
0xe6: {  	[tilespmem:s31+$0x280] =	vst.add.f32.msk $0xffff, v3  }
0xe7: {  	[tilespmem:s31+$0x290] =	vst.add.f32.msk $0xffff, v1  }
0xe8: {  	[tilespmem:s31+$0x2A0] =	vst.add.f32.msk $0xffff, v2  }
0xe9: {  	[tilespmem:s31+$0x2B0] =	vst.add.f32.msk $0xffff, v5  }
0xea: {  	[tilespmem:s31+$0x2C0] =	vst.add.f32.msk $0xffff, v6  }
0xeb: {  	[tilespmem:s31+$0x2D0] =	vst.add.f32.msk $0xffff, v7  }
.Ltmp5:
0xec: {  	s28 =	sadd.s32 $0x80, s28;
	[tilespmem:s31+$0x2E0] =	vst.add.f32.msk $0xffff, v8;
	(pc) =	sbr.rel @p1 .LBB2_13-.Ltmp5, $4  }
0xed: {  	v3 =	vld [tilespmem:s28+$0xFFFFFFC0]  }
0xee: {  	v1 =	vld [tilespmem:s28+$0xFFFFFFD0]  }
0xef: {  	v2 =	vld [tilespmem:s28+$0xFFFFFFE0]  }
0xf0: {  	s30 =	sadd.s32 $0x1000, s30;
	v4 =	vld [tilespmem:s28+$0x30]  }
0xf1: {  	(v2sf) =	vpush v0, $0xE  }
0xf2: {  	(v2sf) =	vpush v0, $0x6;
	_ =	sdelay $0x7  }
0xf3: {  	v5 =	vld [tilespmem:s28+$0xFFFFFFF0]  }
0xf4: {  	v6 =	vld [tilespmem:s28+$0x0]  }
0xf5: {  	v7 =	vld [tilespmem:s28+$0x10];
	s29 =	sshra.s32 s29, $0x2  }
0xf6: {  	v8 =	vld [tilespmem:s28+$0x20];
	s28 =	sadd.s32 s29, s26  }
0xf7: {  	[tilespmem:s28+$0x280] =	vst.add.f32.msk $0xffff, v3  }
0xf8: {  	[tilespmem:s28+$0x290] =	vst.add.f32.msk $0xffff, v1  }
0xf9: {  	[tilespmem:s28+$0x2A0] =	vst.add.f32.msk $0xffff, v2;
	s29 =	spop (v2sf)  }
0xfa: {  	[tilespmem:s28+$0x2F0] =	vst.add.f32.msk $0xffff, v4;
	s30 =	spop (v2sf)  }
0xfb: {  	[tilespmem:s28+$0x2B0] =	vst.add.f32.msk $0xffff, v5;
	s29 =	smov.u32 @p0 s30  }
0xfc: {  	[tilespmem:s28+$0x2C0] =	vst.add.f32.msk $0xffff, v6;
	s29 =	sshll.u32 s29, $0xD  }
0xfd: {  	[tilespmem:s28+$0x2D0] =	vst.add.f32.msk $0xffff, v7;
	s29 =	sshra.s32 s29, $0x2  }
0xfe: {  	[tilespmem:s28+$0x2E0] =	vst.add.f32.msk $0xffff, v8;
	s28 =	sor.u32 $0x40, s29  }
0xff: {  	v3 =	vld [tilespmem:s28+$0xFFFFFFC0]  }
0x100: {  	v1 =	vld [tilespmem:s28+$0xFFFFFFD0]  }
0x101: {  	v2 =	vld [tilespmem:s28+$0xFFFFFFE0]  }
0x102: {  	s30 =	simm.s32 $0x1000;
	s29 =	simm.s32 $0x0;
	v4 =	vld [tilespmem:s28+$0x30]  }
.LBB2_15:
0x103: {  	p1 =	sne.s32 s30, $0xF000;
	v5 =	vld [tilespmem:s28+$0xFFFFFFF0]  }
0x104: {  	v6 =	vld [tilespmem:s28+$0x0]  }
0x105: {  	s31 =	sshra.s32 s29, $0x2;
	s29 =	smov.u32 s30;
	v7 =	vld [tilespmem:s28+$0x10]  }
0x106: {  	s31 =	sadd.s32 s31, s26;
	v8 =	vld [tilespmem:s28+$0x20]  }
0x107: {  	[tilespmem:s31+$0x370] =	vst.add.f32.msk $0xffff, v4  }
0x108: {  	[tilespmem:s31+$0x300] =	vst.add.f32.msk $0xffff, v3  }
0x109: {  	[tilespmem:s31+$0x310] =	vst.add.f32.msk $0xffff, v1  }
0x10a: {  	[tilespmem:s31+$0x320] =	vst.add.f32.msk $0xffff, v2  }
0x10b: {  	[tilespmem:s31+$0x330] =	vst.add.f32.msk $0xffff, v5  }
0x10c: {  	[tilespmem:s31+$0x340] =	vst.add.f32.msk $0xffff, v6  }
0x10d: {  	[tilespmem:s31+$0x350] =	vst.add.f32.msk $0xffff, v7  }
.Ltmp6:
0x10e: {  	s28 =	sadd.s32 $0x80, s28;
	[tilespmem:s31+$0x360] =	vst.add.f32.msk $0xffff, v8;
	(pc) =	sbr.rel @p1 .LBB2_15-.Ltmp6, $4  }
0x10f: {  	v3 =	vld [tilespmem:s28+$0xFFFFFFC0]  }
0x110: {  	v1 =	vld [tilespmem:s28+$0xFFFFFFD0]  }
0x111: {  	v2 =	vld [tilespmem:s28+$0xFFFFFFE0]  }
0x112: {  	s30 =	sadd.s32 $0x1000, s30;
	v4 =	vld [tilespmem:s28+$0x30]  }
0x113: {  	(v2sf) =	vpush v0, $0xF  }
0x114: {  	(v2sf) =	vpush v0, $0x7;
	_ =	sdelay $0x7  }
0x115: {  	v5 =	vld [tilespmem:s28+$0x0]  }
0x116: {  	v6 =	vld [tilespmem:s28+$0x10]  }
0x117: {  	s29 =	sshra.s32 s29, $0x2;
	v7 =	vld [tilespmem:s28+$0x20]  }
0x118: {  	v0 =	vld [tilespmem:s28+$0xFFFFFFF0];
	s28 =	sadd.s32 s29, s26  }
0x119: {  	[tilespmem:s28+$0x300] =	vst.add.f32.msk $0xffff, v3  }
0x11a: {  	[tilespmem:s28+$0x310] =	vst.add.f32.msk $0xffff, v1  }
0x11b: {  	[tilespmem:s28+$0x320] =	vst.add.f32.msk $0xffff, v2;
	s29 =	spop (v2sf)  }
0x11c: {  	[tilespmem:s28+$0x370] =	vst.add.f32.msk $0xffff, v4;
	s30 =	spop (v2sf)  }
0x11d: {  	[tilespmem:s28+$0x340] =	vst.add.f32.msk $0xffff, v5;
	s29 =	smov.u32 @p0 s30  }
0x11e: {  	[tilespmem:s28+$0x350] =	vst.add.f32.msk $0xffff, v6;
	s29 =	sshll.u32 s29, $0xD  }
0x11f: {  	[tilespmem:s28+$0x360] =	vst.add.f32.msk $0xffff, v7;
	s29 =	sshra.s32 s29, $0x2  }
0x120: {  	[tilespmem:s28+$0x330] =	vst.add.f32.msk $0xffff, v0;
	s28 =	sor.u32 $0x40, s29  }
0x121: {  	v0 =	vld [tilespmem:s28+$0xFFFFFFC0]  }
0x122: {  	v1 =	vld [tilespmem:s28+$0xFFFFFFD0]  }
0x123: {  	v2 =	vld [tilespmem:s28+$0xFFFFFFE0]  }
0x124: {  	s30 =	simm.s32 $0x1000;
	s29 =	simm.s32 $0x0;
	v3 =	vld [tilespmem:s28+$0x30]  }
.LBB2_17:
0x125: {  	p0 =	sne.s32 s30, $0xF000;
	v4 =	vld [tilespmem:s28+$0xFFFFFFF0]  }
0x126: {  	v5 =	vld [tilespmem:s28+$0x0]  }
0x127: {  	s31 =	sshra.s32 s29, $0x2;
	s29 =	smov.u32 s30;
	v6 =	vld [tilespmem:s28+$0x10]  }
0x128: {  	s31 =	sadd.s32 s31, s26;
	v7 =	vld [tilespmem:s28+$0x20]  }
0x129: {  	[tilespmem:s31+$0x3F0] =	vst.add.f32.msk $0xffff, v3  }
0x12a: {  	[tilespmem:s31+$0x380] =	vst.add.f32.msk $0xffff, v0  }
0x12b: {  	[tilespmem:s31+$0x390] =	vst.add.f32.msk $0xffff, v1  }
0x12c: {  	[tilespmem:s31+$0x3A0] =	vst.add.f32.msk $0xffff, v2  }
0x12d: {  	[tilespmem:s31+$0x3B0] =	vst.add.f32.msk $0xffff, v4  }
0x12e: {  	[tilespmem:s31+$0x3C0] =	vst.add.f32.msk $0xffff, v5  }
0x12f: {  	[tilespmem:s31+$0x3D0] =	vst.add.f32.msk $0xffff, v6  }
.Ltmp7:
0x130: {  	s28 =	sadd.s32 $0x80, s28;
	[tilespmem:s31+$0x3E0] =	vst.add.f32.msk $0xffff, v7;
	(pc) =	sbr.rel @p0 .LBB2_17-.Ltmp7, $4  }
0x131: {  	v0 =	vld [tilespmem:s28+$0xFFFFFFC0]  }
0x132: {  	v1 =	vld [tilespmem:s28+$0xFFFFFFD0]  }
0x133: {  	v2 =	vld [tilespmem:s28+$0xFFFFFFE0]  }
0x134: {  	s30 =	sadd.s32 $0x1000, s30;
	v3 =	vld [tilespmem:s28+$0x30]  }
0x135: {  	v4 =	vld [tilespmem:s28+$0xFFFFFFF0]  }
0x136: {  	v5 =	vld [tilespmem:s28+$0x0]  }
0x137: {  	v6 =	vld [tilespmem:s28+$0x10];
	s29 =	sshra.s32 s29, $0x2  }
0x138: {  	v7 =	vld [tilespmem:s28+$0x20];
	s28 =	sadd.s32 s29, s26  }
0x139: {  	[tilespmem:s28+$0x380] =	vst.add.f32.msk $0xffff, v0  }
0x13a: {  	[tilespmem:s28+$0x390] =	vst.add.f32.msk $0xffff, v1  }
0x13b: {  	[tilespmem:s28+$0x3A0] =	vst.add.f32.msk $0xffff, v2  }
0x13c: {  	s26 =	sadd.s32 $0x5, s23;
	[tilespmem:s28+$0x3F0] =	vst.add.f32.msk $0xffff, v3  }
0x13d: {  	s31 =	smulhi.u32 $0xAAAAAAAB, s26;
	[tilespmem:s28+$0x3B0] =	vst.add.f32.msk $0xffff, v4  }
0x13e: {  	s30 =	sadd.s32 s6, s23;
	[tilespmem:s28+$0x3C0] =	vst.add.f32.msk $0xffff, v5  }
0x13f: {  	s30 =	sshll.u32 s30, $0xB;
	s29 =	sshrl.u32 s31, $0x2;
	[tilespmem:s28+$0x3D0] =	vst.add.f32.msk $0xffff, v6  }
0x140: {  	s24 =	sadd.s32 $0x7, s24;
	s31 =	sadd.s32 s4, s30;
	[tilespmem:s28+$0x3E0] =	vst.add.f32.msk $0xffff, v7;
	s29 =	smul.u32 $0x6, s29  }
0x141: {  	[hbm4b:s31+s5] =	stream.linear.scatter [tilespmem:s25], [sflag:s24], $0x4000, $0x38;
	[tilespmem:$0x1DA00] =	vst v63  }
0x142: {  	p0 =	seq.s32 s23, $0x0;
	s24 =	ssub.s32 s26, s29  }
0x143: {  	s25 =	sadd.s32 @!p0 $0x7, s24  }
0x144: {  	_ =	swait.ge @!p0 [sflag:s25], $0x4000  }
0x145: {  	p1 =	sgt.u32 @!p0 s23, $0x3A;
	s23 =	sadd.s32 $0x1, s23;
	[sflag:s25] =	ssyncset.done @!p0 $0x0  }
0x146: {  	p1 =	por p0, !p1;
	[sflag:s25] =	ssyncadd.s32 @!p0 $0xFFFFC000;
	p0 =	sne.s32 s23, $0x40  }
.Ltmp8:
0x147: {  	_ = 	snop;
	(pc) =	sbr.rel @p0 .LBB2_2-.Ltmp8, $4  }
0x148: {  	s25 =	sadd.s32 @p1 s6, s26;
	s26 =	sshll.u32 @p1 s24, $0xE  }
0x149: {  	s22 =	sadd.s32 $0x4000, s22;
	s26 =	sand.u32 @p1 $0x3FFFC000, s26;
	s25 =	sshll.u32 @p1 s25, $0xB  }
0x14a: {  	s24 =	sadd.s32 @p1 $0x1, s24;
	s26 =	sadd.s32 @p1 $0x5A00, s26;
	s25 =	sadd.s32 @p1 s1, s25  }
0x14b: {  	[tilespmem:s26], [sflag:s24] =	stream.linear.gather @p1 [hbm4b:s25+s5], $0x4000, $0x38;
	[tilespmem:$0x1DA00] =	vst v63  }
0x14c: {  	s21 =	sadd.s32 $0x1, s21  }
0x14d: {  	p0 =	sne.s32 s21, s13  }
.Ltmp9:
0x14e: {  	_ = 	snop;
	(pc) =	sbr.rel @p0 .LBB2_1-.Ltmp9, $4  }
0x14f: {  	_ = 	snop  }
0x150: {  	_ =	swait.ge [sflag:s20], $0x4000  }
0x151: {  	[sflag:s20] =	ssyncset.done $0x0  }
0x152: {  	[sflag:s20] =	ssyncadd.s32 $0xFFFFC000  }
0x153: {  	_ =	sfence.sel $0x180000  }
0x154: {  	[bflag:$0x0] =	sbarrier.arrive $0xFFFF  }
0x155: {  	p0 =	sne.s32 s2, $0x0;
	_ =	strace $0x90000047  }
0x156: {  	s0 =	sadd.s32 @!p0 $0x100000, s0;
	[bflag:$0x2] =	sbarrier.arrive $0xFFFF  }
0x157: {  	[sflag:s0] =	ssyncadd.tile.s32 @!p0 $0x1;
	_ =	shalt  }
.Lfunc_end2:
_tile_overlayer_lowered:
.L_overlay_start_2:
0x158: {  	(tag) =	ssettag $0x2  }
0x159: {  	s0 =	rddreg [dreg:$0x0];
	s2 =	stileid.u32  }
0x15a: {  	s1 =	rddreg [dreg:$0x1];
	p0 =	sne.s32 s2, $0x0  }
0x15b: {  	s3 =	rddreg [dreg:$0x2];
	[bflag:$0x3] =	sbarrier.arrive $0xFFFF;
	s2 =	simm.s32 @!p0 $0x1C0D  }
0x15c: {  	[timem:s3], [sflag:s2] =	dma.local @!p0 [hbm:s0], s1  }
0x15d: {  	s0 =	simm.s32 @!p0 $0xD  }
0x15e: {  	_ =	swait.ge @!p0 [sflag:s0], s1  }
0x15f: {  	s1 =	ssub.s32 @!p0 $0x0, s1;
	[sflag:s0] =	ssyncset.done @!p0 $0x0  }
0x160: {  	[sflag:s0] =	ssyncadd.s32 @!p0 s1  }
0x161: {  	[bflag:$0x3] =	sbarrier.arrive $0xFFFF  }
0x162: {  	_ =	shalt  }

</sc_bundles>
